<compile_context>
chip_gen: v7x
topology: tpu7x:2x2x1
jax: 0.10.2.dev20260603
libtpu: 0.0.44.dev20260713+nightly
codegen_flags: <defaults>
</compile_context>

<pallas_src>
import functools

import numpy as np
import jax
import jax.numpy as jnp
from jax import lax
from jax.experimental import pallas as pl
from jax.experimental.pallas import tpu as pltpu
from jax.experimental.pallas import tpu_sc as plsc

_CUTOFF = 5.0
_LOG2 = float(np.log(2.0))
_PI = float(np.pi)


def _ssp(v):
    return jnp.maximum(v, 0.0) + jnp.log1p(jnp.exp(-jnp.abs(v))) - _LOG2


def _cutoff_in2f_body(r_ref, m_ref, x_ref, w_ref, c_ref, y_ref):
    r = r_ref[...]
    c = 0.5 * (jnp.cos(r * (_PI / _CUTOFF)) + 1.0)
    c = jnp.where(r < _CUTOFF, c, 0.0) * m_ref[...]
    c_ref[...] = jnp.broadcast_to(c[:, None, :], (c.shape[0], 8, c.shape[1]))
    y_ref[...] = jnp.dot(
        x_ref[...], w_ref[...], preferred_element_type=jnp.float32
    ).astype(y_ref.dtype)


def _fused_body(f_ref, yg_ref, c_ref, w1_ref, b1_ref, w2_ref, b2_ref,
                wo_ref, bo_ref, o_ref):
    npair = f_ref.shape[1]
    nbh = f_ref.shape[2]
    blk = npair * nbh
    shift = int(np.log2(nbh))
    f2 = f_ref[...].reshape(blk, f_ref.shape[3])
    c_row = c_ref[0, 0:1, :]
    HB = blk // 2
    pid = lax.broadcasted_iota(jnp.int32, (npair, HB), 0)
    agg = None
    for t in range(2):
        h = jnp.dot(
            f2[t * HB:(t + 1) * HB],
            w1_ref[...],
            preferred_element_type=jnp.float32,
        )
        h = jnp.log1p(jnp.exp(h + b1_ref[...])) - _LOG2
        wf = (
            jnp.dot(h, w2_ref[...], preferred_element_type=jnp.float32)
            + b2_ref[...]
        )
        m = wf * yg_ref[t * HB:(t + 1) * HB, :].astype(jnp.float32)
        eid = lax.broadcasted_iota(jnp.int32, (npair, HB), 1) + t * HB
        sel = jnp.where((eid >> shift) == pid, c_row[:, t * HB:(t + 1) * HB], 0.0)
        part = jnp.dot(sel, m, preferred_element_type=jnp.float32)
        agg = part if agg is None else agg + part
    o_ref[...] = _ssp(
        jnp.dot(agg, wo_ref[...], preferred_element_type=jnp.float32) + bo_ref[...]
    )


@functools.lru_cache(maxsize=None)
def _make_sc_gather(nmol, pairs_per_mol, nbh, feat, dt):
    info = plsc.get_sparse_core_info()
    nc, ns = info.num_cores, info.num_subcores
    assert nc * ns == nmol
    epm = pairs_per_mol * nbh
    CH = 128
    nch = epm // CH
    NBUF = 4
    GSP = 128
    NGS = CH // GSP
    mesh = plsc.VectorSubcoreMesh(core_axis_name="c", subcore_axis_name="s")

    @functools.partial(
        pl.kernel,
        mesh=mesh,
        out_type=jax.ShapeDtypeStruct((nmol * epm, feat), dt),
        scratch_types=[
            pltpu.VMEM((nch, CH), jnp.int32),
            pltpu.VMEM((NBUF, CH, feat), dt),
        ]
        + [pltpu.SemaphoreType.DMA] * (2 * NBUF),
    )
    def gather(y_hbm, idx_hbm, out_hbm, idx_v, rows_v, *sems):
        gs, os = sems[:NBUF], sems[NBUF:]
        w = lax.axis_index("s") * nc + lax.axis_index("c")
        pltpu.sync_copy(idx_hbm.at[w], idx_v)
        e0 = w * epm

        def g_issue(ci, bi):
            for i in range(NGS):
                pltpu.async_copy(
                    y_hbm.at[idx_v.at[ci, pl.ds(i * GSP, GSP)]],
                    rows_v.at[bi, pl.ds(i * GSP, GSP)],
                    gs[bi],
                )

        def g_wait(bi):
            for i in range(NGS):
                pltpu.make_async_copy(
                    y_hbm.at[pl.ds(0, GSP)],
                    rows_v.at[bi, pl.ds(i * GSP, GSP)],
                    gs[bi],
                ).wait()

        def o_issue(ci, bi):
            pltpu.async_copy(
                rows_v.at[bi], out_hbm.at[pl.ds(e0 + ci * CH, CH)], os[bi]
            )

        def o_wait(bi):
            pltpu.make_async_copy(
                rows_v.at[bi], out_hbm.at[pl.ds(0, CH)], os[bi]
            ).wait()

        for b in range(NBUF):
            g_issue(b, b)

        def sup(u, carry):
            c0 = u * NBUF
            for b in range(NBUF):
                g_wait(b)
                o_issue(c0 + b, b)
            for b in range(NBUF):
                @pl.when(u < nch // NBUF - 1)
                def _(b=b):
                    o_wait(b)
                    g_issue(c0 + NBUF + b, b)
            return carry

        lax.fori_loop(0, nch // NBUF, sup, 0)
        for b in range(NBUF):
            o_wait(b)

    return gather


def kernel(x, r_ij, neighbors, pairwise_mask, f_ij, W1, b1, W2, b2, Win, Wout, bout):
    B, N, F = x.shape
    NBH = neighbors.shape[2]
    NG = f_ij.shape[3]
    ROWS = B * N * NBH
    PAIRS = B * N

    NBLK = 32
    EBLK = NBLK * NBH
    Q = ROWS // EBLK
    rd = r_ij.reshape(Q, EBLK)
    md = pairwise_mask.reshape(Q, EBLK)

    CB = 8
    NPROG = Q // CB
    XB = PAIRS // NPROG
    c3, y2 = pl.pallas_call(
        _cutoff_in2f_body,
        grid=(NPROG,),
        in_specs=[
            pl.BlockSpec((CB, EBLK), lambda i: (i, 0)),
            pl.BlockSpec((CB, EBLK), lambda i: (i, 0)),
            pl.BlockSpec((XB, F), lambda i: (i, 0)),
            pl.BlockSpec((F, F), lambda i: (0, 0)),
        ],
        out_specs=[
            pl.BlockSpec((CB, 8, EBLK), lambda i: (i, 0, 0)),
            pl.BlockSpec((XB, F), lambda i: (i, 0)),
        ],
        out_shape=[
            jax.ShapeDtypeStruct((Q, 8, EBLK), jnp.float32),
            jax.ShapeDtypeStruct((PAIRS, F), jnp.float32),
        ],
    )(rd, md, x.reshape(PAIRS, F), Win)

    EPM = N * NBH
    nb32 = neighbors.astype(jnp.int32)
    gidx = (nb32 + (jnp.arange(B, dtype=jnp.int32) * N)[:, None, None]).reshape(
        B, EPM // 128, 128
    )
    yg = _make_sc_gather(B, N, NBH, F, jnp.float32)(y2, gidx)

    out = pl.pallas_call(
        _fused_body,
        grid=(B, N // NBLK),
        in_specs=[
            pl.BlockSpec((1, NBLK, NBH, NG), lambda b, j: (b, j, 0, 0)),
            pl.BlockSpec((EBLK, F), lambda b, j: (b * (N // NBLK) + j, 0)),
            pl.BlockSpec((1, 8, EBLK), lambda b, j: (b * (N // NBLK) + j, 0, 0)),
            pl.BlockSpec((NG, F), lambda b, j: (0, 0)),
            pl.BlockSpec((1, F), lambda b, j: (0, 0)),
            pl.BlockSpec((F, F), lambda b, j: (0, 0)),
            pl.BlockSpec((1, F), lambda b, j: (0, 0)),
            pl.BlockSpec((F, F), lambda b, j: (0, 0)),
            pl.BlockSpec((1, F), lambda b, j: (0, 0)),
        ],
        out_specs=pl.BlockSpec((NBLK, F), lambda b, j: (b * (N // NBLK) + j, 0)),
        out_shape=jax.ShapeDtypeStruct((PAIRS, F), jnp.float32),
    )(
        f_ij,
        yg,
        c3,
        W1,
        b1.reshape(1, F),
        W2,
        b2.reshape(1, F),
        Wout,
        bout.reshape(1, F),
    )
    return out.reshape(B, N, F)

# --- scband reference (transcript-rebuilt; emitter-appended) ---
"""Pipeline reference for scband-cfconv-41051297415619 (READ-ONLY COPY).

The authoritative reference and input builder live on the scoring server;
editing this copy changes nothing except your own understanding.
"""

import jax, jax.numpy as jnp
import numpy as np

CUTOFF = 5.0
LOG2 = float(np.log(2.0))

def ssp(v):
    return jax.nn.softplus(v) - LOG2

def _xavier(k, shape):
    a = float(np.sqrt(6.0 / (shape[0] + shape[1])))
    return jax.random.uniform(k, shape, jnp.float32, -a, a)

def setup_inputs(seed: int = 0):
    key = jax.random.key(seed)
    ks = jax.random.split(key, 10)
    B, N, NB, NG, F = 32, 128, 64, 25, 128
    x = jax.random.normal(ks[0], (B, N, F), dtype=jnp.float32)
    r_ij = jax.random.uniform(ks[1], (B, N, NB), dtype=jnp.float32) * 10.0
    neighbors = jax.random.randint(ks[2], (B, N, NB), 0, N).astype(jnp.int64)
    pairwise_mask = jnp.ones((B, N, NB), dtype=jnp.float32)
    f_ij = jax.random.normal(ks[3], (B, N, NB, NG), dtype=jnp.float32)
    W1 = _xavier(ks[4], (NG, F))
    b1 = jnp.zeros((F,), jnp.float32)
    W2 = _xavier(ks[5], (F, F))
    b2 = jnp.zeros((F,), jnp.float32)
    Win = _xavier(ks[6], (F, F))
    Wout = _xavier(ks[7], (F, F))
    bout = jnp.zeros((F,), jnp.float32)
    return {"x": x, "r_ij": r_ij, "neighbors": neighbors, "pairwise_mask": pairwise_mask,
            "f_ij": f_ij, "W1": W1, "b1": b1, "W2": W2, "b2": b2,
            "Win": Win, "Wout": Wout, "bout": bout}

def reference(x, r_ij, neighbors, pairwise_mask, f_ij, W1, b1, W2, b2, Win, Wout, bout):
    # filter network: Dense(ssp) -> Dense
    W = ssp(jnp.einsum('bnkg,gf->bnkf', f_ij, W1) + b1)
    W = jnp.einsum('bnkf,fh->bnkh', W, W2) + b2
    # cosine cutoff
    C = 0.5 * (jnp.cos(r_ij * np.pi / CUTOFF) + 1.0)
    C = C * (r_ij < CUTOFF).astype(jnp.float32)
    W = W * C[..., None]
    # in2f (no bias)
    y = jnp.einsum('bnf,fh->bnh', x, Win)
    # gather neighbor features per molecule
    yg = jax.vmap(lambda yb, nb: yb[nb])(y, neighbors)  # [B, N, NB, F]
    y = yg * W
    # aggregate over neighbor axis with pairwise mask (sum, not mean)
    y = jnp.sum(y * pairwise_mask[..., None], axis=2)
    # f2out with shifted softplus activation
    y = ssp(jnp.einsum('bnf,fh->bnh', y, Wout) + bout)
    return y

if __name__ == "__main__":
    import jax
    _d = setup_inputs()
    print(jax.jit(kernel)(*tuple(_d.values())))

</pallas_src>

<mosaic_0001>
#map = affine_map<(d0, d1) -> (0, 0)>
#map1 = affine_map<(d0, d1) -> (0, 0, 0)>
module attributes {stable_mosaic.version = 14 : i64} {
  func.func @gather(%arg0: i32, %arg1: i32, %arg2: memref<4096x128xf32, #tpu.memory_space<hbm>>, %arg3: memref<32x64x128xi32, #tpu.memory_space<hbm>>, %arg4: memref<262144x128xf32, #tpu.memory_space<hbm>>, %arg5: memref<64x128xi32, #tpu.memory_space<vmem>>, %arg6: memref<4x128x128xf32, #tpu.memory_space<vmem>>, %arg7: memref<!tpu.dma_semaphore, #tpu.memory_space<semaphore_mem>>, %arg8: memref<!tpu.dma_semaphore, #tpu.memory_space<semaphore_mem>>, %arg9: memref<!tpu.dma_semaphore, #tpu.memory_space<semaphore_mem>>, %arg10: memref<!tpu.dma_semaphore, #tpu.memory_space<semaphore_mem>>, %arg11: memref<!tpu.dma_semaphore, #tpu.memory_space<semaphore_mem>>, %arg12: memref<!tpu.dma_semaphore, #tpu.memory_space<semaphore_mem>>, %arg13: memref<!tpu.dma_semaphore, #tpu.memory_space<semaphore_mem>>, %arg14: memref<!tpu.dma_semaphore, #tpu.memory_space<semaphore_mem>>) attributes {dimension_semantics = [#tpu.dimension_semantics<core_parallel>, #tpu.dimension_semantics<subcore_parallel>], iteration_bounds = array<i64: 2, 16>, scalar_prefetch = 0 : i64, scratch_operands = 10 : i64, tpu.core_type = #tpu.core_type<sc_vector_subcore>, window_params = [{transform_indices = #map}, {transform_indices = #map1}, {transform_indices = #map}]} {
    %mul3A = arith.constant 2 : i32
    %mul3A_0 = arith.muli %arg1, %mul3A : i32
    %add3A = arith.addi %mul3A_0, %arg0 : i32
    "tpu.region"() ({
      %run_scoped3A = tpu.sem_alloc : memref<!tpu.dma_semaphore, #tpu.memory_space<semaphore_mem>>
      %dma_start3A_114 = arith.constant 0 : i32
      %dma_start3A_115 = arith.constant 0 : i32
      %dma_start3A_116 = tpu.memref_slice %arg3[%add3A, %dma_start3A_114, %dma_start3A_115] : memref<32x64x128xi32, #tpu.memory_space<hbm>> -> memref<1x64x128xi32, #tpu.memory_space<hbm>>
      %dma_start3A_117 = tpu.memref_squeeze %dma_start3A_116 : memref<1x64x128xi32, #tpu.memory_space<hbm>> -> memref<64x128xi32, #tpu.memory_space<hbm>>
      %dma_start3A_118 = arith.constant 0 : i32
      %dma_start3A_119 = arith.constant 0 : i32
      %dma_start3A_120 = tpu.memref_slice %arg3[%add3A, %dma_start3A_118, %dma_start3A_119] : memref<32x64x128xi32, #tpu.memory_space<hbm>> -> memref<1x64x128xi32, #tpu.memory_space<hbm>>
      %dma_start3A_121 = tpu.memref_squeeze %dma_start3A_120 : memref<1x64x128xi32, #tpu.memory_space<hbm>> -> memref<64x128xi32, #tpu.memory_space<hbm>>
      tpu.enqueue_dma source(%dma_start3A_121 : memref<64x128xi32, #tpu.memory_space<hbm>>) target(%arg5 : memref<64x128xi32, #tpu.memory_space<vmem>>) target_semaphore(%run_scoped3A : memref<!tpu.dma_semaphore, #tpu.memory_space<semaphore_mem>>)
      %dma_wait3A_122 = arith.constant 0 : i32
      %dma_wait3A_123 = arith.constant 0 : i32
      %dma_wait3A_124 = tpu.memref_slice %arg3[%add3A, %dma_wait3A_122, %dma_wait3A_123] : memref<32x64x128xi32, #tpu.memory_space<hbm>> -> memref<1x64x128xi32, #tpu.memory_space<hbm>>
      %dma_wait3A_125 = tpu.memref_squeeze %dma_wait3A_124 : memref<1x64x128xi32, #tpu.memory_space<hbm>> -> memref<64x128xi32, #tpu.memory_space<hbm>>
      %dma_wait3A_126 = arith.constant 0 : i32
      %dma_wait3A_127 = arith.constant 0 : i32
      %dma_wait3A_128 = tpu.memref_slice %arg3[%add3A, %dma_wait3A_126, %dma_wait3A_127] : memref<32x64x128xi32, #tpu.memory_space<hbm>> -> memref<1x64x128xi32, #tpu.memory_space<hbm>>
      %dma_wait3A_129 = tpu.memref_squeeze %dma_wait3A_128 : memref<1x64x128xi32, #tpu.memory_space<hbm>> -> memref<64x128xi32, #tpu.memory_space<hbm>>
      tpu.wait_dma2 semaphore(%run_scoped3A : memref<!tpu.dma_semaphore, #tpu.memory_space<semaphore_mem>>) src(%dma_wait3A_129 : memref<64x128xi32, #tpu.memory_space<hbm>>) dst(%arg5 : memref<64x128xi32, #tpu.memory_space<vmem>>)
      tpu.yield
    }) : () -> ()
    %mul3A_1 = arith.constant 8192 : i32
    %mul3A_2 = arith.muli %add3A, %mul3A_1 : i32
    %dma_start3A = arith.constant 0 : i32
    %dma_start3A_3 = arith.constant 0 : i32
    %dma_start3A_4 = arith.constant 0 : i32
    %dma_start3A_5 = arith.constant 0 : i32
    %dma_start3A_6 = tpu.memref_slice %arg6[%dma_start3A_3, %dma_start3A_4, %dma_start3A_5] : memref<4x128x128xf32, #tpu.memory_space<vmem>> -> memref<1x128x128xf32, #tpu.memory_space<vmem>>
    %dma_start3A_7 = tpu.memref_squeeze %dma_start3A_6 : memref<1x128x128xf32, #tpu.memory_space<vmem>> -> memref<128x128xf32, #tpu.memory_space<vmem>>
    %dma_start3A_8 = arith.constant 0 : i32
    %dma_start3A_9 = tpu.memref_slice %arg5[%dma_start3A, %dma_start3A_8] : memref<64x128xi32, #tpu.memory_space<vmem>> -> memref<1x128xi32, #tpu.memory_space<vmem>>
    %dma_start3A_10 = tpu.memref_squeeze %dma_start3A_9 : memref<1x128xi32, #tpu.memory_space<vmem>> -> memref<128xi32, #tpu.memory_space<vmem>>
    %dma_start3A_11 = arith.constant 0 : i32
    %dma_start3A_12 = arith.constant 0 : i32
    %dma_start3A_13 = tpu.memref_slice %arg2[%dma_start3A_11, %dma_start3A_12] : memref<4096x128xf32, #tpu.memory_space<hbm>> -> memref<4096x128xf32, #tpu.memory_space<hbm>>
    tpu.enqueue_indirect_dma source(%dma_start3A_13 : memref<4096x128xf32, #tpu.memory_space<hbm>>) target(%dma_start3A_7 : memref<128x128xf32, #tpu.memory_space<vmem>>) offsets(%dma_start3A_10 : memref<128xi32, #tpu.memory_space<vmem>>) semaphore(%arg7 : memref<!tpu.dma_semaphore, #tpu.memory_space<semaphore_mem>>)
    %dma_start3A_14 = arith.constant 1 : i32
    %dma_start3A_15 = arith.constant 1 : i32
    %dma_start3A_16 = arith.constant 0 : i32
    %dma_start3A_17 = arith.constant 0 : i32
    %dma_start3A_18 = tpu.memref_slice %arg6[%dma_start3A_15, %dma_start3A_16, %dma_start3A_17] : memref<4x128x128xf32, #tpu.memory_space<vmem>> -> memref<1x128x128xf32, #tpu.memory_space<vmem>>
    %dma_start3A_19 = tpu.memref_squeeze %dma_start3A_18 : memref<1x128x128xf32, #tpu.memory_space<vmem>> -> memref<128x128xf32, #tpu.memory_space<vmem>>
    %dma_start3A_20 = arith.constant 0 : i32
    %dma_start3A_21 = tpu.memref_slice %arg5[%dma_start3A_14, %dma_start3A_20] : memref<64x128xi32, #tpu.memory_space<vmem>> -> memref<1x128xi32, #tpu.memory_space<vmem>>
    %dma_start3A_22 = tpu.memref_squeeze %dma_start3A_21 : memref<1x128xi32, #tpu.memory_space<vmem>> -> memref<128xi32, #tpu.memory_space<vmem>>
    %dma_start3A_23 = arith.constant 0 : i32
    %dma_start3A_24 = arith.constant 0 : i32
    %dma_start3A_25 = tpu.memref_slice %arg2[%dma_start3A_23, %dma_start3A_24] : memref<4096x128xf32, #tpu.memory_space<hbm>> -> memref<4096x128xf32, #tpu.memory_space<hbm>>
    tpu.enqueue_indirect_dma source(%dma_start3A_25 : memref<4096x128xf32, #tpu.memory_space<hbm>>) target(%dma_start3A_19 : memref<128x128xf32, #tpu.memory_space<vmem>>) offsets(%dma_start3A_22 : memref<128xi32, #tpu.memory_space<vmem>>) semaphore(%arg8 : memref<!tpu.dma_semaphore, #tpu.memory_space<semaphore_mem>>)
    %dma_start3A_26 = arith.constant 2 : i32
    %dma_start3A_27 = arith.constant 2 : i32
    %dma_start3A_28 = arith.constant 0 : i32
    %dma_start3A_29 = arith.constant 0 : i32
    %dma_start3A_30 = tpu.memref_slice %arg6[%dma_start3A_27, %dma_start3A_28, %dma_start3A_29] : memref<4x128x128xf32, #tpu.memory_space<vmem>> -> memref<1x128x128xf32, #tpu.memory_space<vmem>>
    %dma_start3A_31 = tpu.memref_squeeze %dma_start3A_30 : memref<1x128x128xf32, #tpu.memory_space<vmem>> -> memref<128x128xf32, #tpu.memory_space<vmem>>
    %dma_start3A_32 = arith.constant 0 : i32
    %dma_start3A_33 = tpu.memref_slice %arg5[%dma_start3A_26, %dma_start3A_32] : memref<64x128xi32, #tpu.memory_space<vmem>> -> memref<1x128xi32, #tpu.memory_space<vmem>>
    %dma_start3A_34 = tpu.memref_squeeze %dma_start3A_33 : memref<1x128xi32, #tpu.memory_space<vmem>> -> memref<128xi32, #tpu.memory_space<vmem>>
    %dma_start3A_35 = arith.constant 0 : i32
    %dma_start3A_36 = arith.constant 0 : i32
    %dma_start3A_37 = tpu.memref_slice %arg2[%dma_start3A_35, %dma_start3A_36] : memref<4096x128xf32, #tpu.memory_space<hbm>> -> memref<4096x128xf32, #tpu.memory_space<hbm>>
    tpu.enqueue_indirect_dma source(%dma_start3A_37 : memref<4096x128xf32, #tpu.memory_space<hbm>>) target(%dma_start3A_31 : memref<128x128xf32, #tpu.memory_space<vmem>>) offsets(%dma_start3A_34 : memref<128xi32, #tpu.memory_space<vmem>>) semaphore(%arg9 : memref<!tpu.dma_semaphore, #tpu.memory_space<semaphore_mem>>)
    %dma_start3A_38 = arith.constant 3 : i32
    %dma_start3A_39 = arith.constant 3 : i32
    %dma_start3A_40 = arith.constant 0 : i32
    %dma_start3A_41 = arith.constant 0 : i32
    %dma_start3A_42 = tpu.memref_slice %arg6[%dma_start3A_39, %dma_start3A_40, %dma_start3A_41] : memref<4x128x128xf32, #tpu.memory_space<vmem>> -> memref<1x128x128xf32, #tpu.memory_space<vmem>>
    %dma_start3A_43 = tpu.memref_squeeze %dma_start3A_42 : memref<1x128x128xf32, #tpu.memory_space<vmem>> -> memref<128x128xf32, #tpu.memory_space<vmem>>
    %dma_start3A_44 = arith.constant 0 : i32
    %dma_start3A_45 = tpu.memref_slice %arg5[%dma_start3A_38, %dma_start3A_44] : memref<64x128xi32, #tpu.memory_space<vmem>> -> memref<1x128xi32, #tpu.memory_space<vmem>>
    %dma_start3A_46 = tpu.memref_squeeze %dma_start3A_45 : memref<1x128xi32, #tpu.memory_space<vmem>> -> memref<128xi32, #tpu.memory_space<vmem>>
    %dma_start3A_47 = arith.constant 0 : i32
    %dma_start3A_48 = arith.constant 0 : i32
    %dma_start3A_49 = tpu.memref_slice %arg2[%dma_start3A_47, %dma_start3A_48] : memref<4096x128xf32, #tpu.memory_space<hbm>> -> memref<4096x128xf32, #tpu.memory_space<hbm>>
    tpu.enqueue_indirect_dma source(%dma_start3A_49 : memref<4096x128xf32, #tpu.memory_space<hbm>>) target(%dma_start3A_43 : memref<128x128xf32, #tpu.memory_space<vmem>>) offsets(%dma_start3A_46 : memref<128xi32, #tpu.memory_space<vmem>>) semaphore(%arg10 : memref<!tpu.dma_semaphore, #tpu.memory_space<semaphore_mem>>)
    %scan3A = arith.constant 0 : i32
    %scan3A_50 = arith.constant 0 : i32
    %scan3A_51 = arith.constant 16 : i32
    %scan3A_52 = arith.addi %scan3A_50, %scan3A_51 : i32
    %scan3A_53 = arith.constant 1 : i32
    scf.for %scan3A_114 = %scan3A_50 to %scan3A_52 step %scan3A_53  : i32 {
      %mul3A_115 = arith.constant 4 : i32
      %mul3A_116 = arith.muli %scan3A_114, %mul3A_115 : i32
      %dma_wait3A_117 = arith.constant 0 : i32
      %dma_wait3A_118 = arith.constant 0 : i32
      %dma_wait3A_119 = arith.constant 0 : i32
      %dma_wait3A_120 = tpu.memref_slice %arg6[%dma_wait3A_117, %dma_wait3A_118, %dma_wait3A_119] : memref<4x128x128xf32, #tpu.memory_space<vmem>> -> memref<1x128x128xf32, #tpu.memory_space<vmem>>
      %dma_wait3A_121 = tpu.memref_squeeze %dma_wait3A_120 : memref<1x128x128xf32, #tpu.memory_space<vmem>> -> memref<128x128xf32, #tpu.memory_space<vmem>>
      %dma_wait3A_122 = arith.constant 0 : i32
      %dma_wait3A_123 = arith.constant 0 : i32
      %dma_wait3A_124 = tpu.memref_slice %arg2[%dma_wait3A_122, %dma_wait3A_123] : memref<4096x128xf32, #tpu.memory_space<hbm>> -> memref<128x128xf32, #tpu.memory_space<hbm>>
      %dma_wait3A_125 = arith.constant 0 : i32
      %dma_wait3A_126 = arith.constant 0 : i32
      %dma_wait3A_127 = tpu.memref_slice %arg6[%dma_wait3A_117, %dma_wait3A_125, %dma_wait3A_126] : memref<4x128x128xf32, #tpu.memory_space<vmem>> -> memref<1x128x128xf32, #tpu.memory_space<vmem>>
      %dma_wait3A_128 = tpu.memref_squeeze %dma_wait3A_127 : memref<1x128x128xf32, #tpu.memory_space<vmem>> -> memref<128x128xf32, #tpu.memory_space<vmem>>
      %dma_wait3A_129 = arith.constant 0 : i32
      %dma_wait3A_130 = arith.constant 0 : i32
      %dma_wait3A_131 = tpu.memref_slice %arg2[%dma_wait3A_129, %dma_wait3A_130] : memref<4096x128xf32, #tpu.memory_space<hbm>> -> memref<128x128xf32, #tpu.memory_space<hbm>>
      tpu.wait_dma2 semaphore(%arg7 : memref<!tpu.dma_semaphore, #tpu.memory_space<semaphore_mem>>) src(%dma_wait3A_131 : memref<128x128xf32, #tpu.memory_space<hbm>>) dst(%dma_wait3A_128 : memref<128x128xf32, #tpu.memory_space<vmem>>)
      %add3A_132 = arith.constant 0 : i32
      %add3A_133 = arith.addi %mul3A_116, %add3A_132 : i32
      %mul3A_134 = arith.constant 128 : i32
      %mul3A_135 = arith.muli %add3A_133, %mul3A_134 : i32
      %add3A_136 = arith.addi %mul3A_2, %mul3A_135 : i32
      %dma_start3A_137 = arith.constant 0 : i32
      %dma_start3A_138 = arith.constant 0 : i32
      %dma_start3A_139 = arith.constant 0 : i32
      %dma_start3A_140 = tpu.memref_slice %arg6[%dma_start3A_137, %dma_start3A_138, %dma_start3A_139] : memref<4x128x128xf32, #tpu.memory_space<vmem>> -> memref<1x128x128xf32, #tpu.memory_space<vmem>>
      %dma_start3A_141 = tpu.memref_squeeze %dma_start3A_140 : memref<1x128x128xf32, #tpu.memory_space<vmem>> -> memref<128x128xf32, #tpu.memory_space<vmem>>
      %dma_start3A_142 = arith.constant 0 : i32
      %dma_start3A_143 = tpu.memref_slice %arg4[%add3A_136, %dma_start3A_142] : memref<262144x128xf32, #tpu.memory_space<hbm>> -> memref<128x128xf32, #tpu.memory_space<hbm>>
      %dma_start3A_144 = arith.constant 0 : i32
      %dma_start3A_145 = tpu.memref_slice %arg4[%add3A_136, %dma_start3A_144] : memref<262144x128xf32, #tpu.memory_space<hbm>> -> memref<128x128xf32, #tpu.memory_space<hbm>>
      %dma_start3A_146 = arith.constant 0 : i32
      %dma_start3A_147 = arith.constant 0 : i32
      %dma_start3A_148 = tpu.memref_slice %arg6[%dma_start3A_137, %dma_start3A_146, %dma_start3A_147] : memref<4x128x128xf32, #tpu.memory_space<vmem>> -> memref<1x128x128xf32, #tpu.memory_space<vmem>>
      %dma_start3A_149 = tpu.memref_squeeze %dma_start3A_148 : memref<1x128x128xf32, #tpu.memory_space<vmem>> -> memref<128x128xf32, #tpu.memory_space<vmem>>
      tpu.enqueue_dma source(%dma_start3A_149 : memref<128x128xf32, #tpu.memory_space<vmem>>) target(%dma_start3A_145 : memref<128x128xf32, #tpu.memory_space<hbm>>) target_semaphore(%arg11 : memref<!tpu.dma_semaphore, #tpu.memory_space<semaphore_mem>>)
      %dma_wait3A_150 = arith.constant 1 : i32
      %dma_wait3A_151 = arith.constant 0 : i32
      %dma_wait3A_152 = arith.constant 0 : i32
      %dma_wait3A_153 = tpu.memref_slice %arg6[%dma_wait3A_150, %dma_wait3A_151, %dma_wait3A_152] : memref<4x128x128xf32, #tpu.memory_space<vmem>> -> memref<1x128x128xf32, #tpu.memory_space<vmem>>
      %dma_wait3A_154 = tpu.memref_squeeze %dma_wait3A_153 : memref<1x128x128xf32, #tpu.memory_space<vmem>> -> memref<128x128xf32, #tpu.memory_space<vmem>>
      %dma_wait3A_155 = arith.constant 0 : i32
      %dma_wait3A_156 = arith.constant 0 : i32
      %dma_wait3A_157 = tpu.memref_slice %arg2[%dma_wait3A_155, %dma_wait3A_156] : memref<4096x128xf32, #tpu.memory_space<hbm>> -> memref<128x128xf32, #tpu.memory_space<hbm>>
      %dma_wait3A_158 = arith.constant 0 : i32
      %dma_wait3A_159 = arith.constant 0 : i32
      %dma_wait3A_160 = tpu.memref_slice %arg6[%dma_wait3A_150, %dma_wait3A_158, %dma_wait3A_159] : memref<4x128x128xf32, #tpu.memory_space<vmem>> -> memref<1x128x128xf32, #tpu.memory_space<vmem>>
      %dma_wait3A_161 = tpu.memref_squeeze %dma_wait3A_160 : memref<1x128x128xf32, #tpu.memory_space<vmem>> -> memref<128x128xf32, #tpu.memory_space<vmem>>
      %dma_wait3A_162 = arith.constant 0 : i32
      %dma_wait3A_163 = arith.constant 0 : i32
      %dma_wait3A_164 = tpu.memref_slice %arg2[%dma_wait3A_162, %dma_wait3A_163] : memref<4096x128xf32, #tpu.memory_space<hbm>> -> memref<128x128xf32, #tpu.memory_space<hbm>>
      tpu.wait_dma2 semaphore(%arg8 : memref<!tpu.dma_semaphore, #tpu.memory_space<semaphore_mem>>) src(%dma_wait3A_164 : memref<128x128xf32, #tpu.memory_space<hbm>>) dst(%dma_wait3A_161 : memref<128x128xf32, #tpu.memory_space<vmem>>)
      %add3A_165 = arith.constant 1 : i32
      %add3A_166 = arith.addi %mul3A_116, %add3A_165 : i32
      %mul3A_167 = arith.constant 128 : i32
      %mul3A_168 = arith.muli %add3A_166, %mul3A_167 : i32
      %add3A_169 = arith.addi %mul3A_2, %mul3A_168 : i32
      %dma_start3A_170 = arith.constant 1 : i32
      %dma_start3A_171 = arith.constant 0 : i32
      %dma_start3A_172 = arith.constant 0 : i32
      %dma_start3A_173 = tpu.memref_slice %arg6[%dma_start3A_170, %dma_start3A_171, %dma_start3A_172] : memref<4x128x128xf32, #tpu.memory_space<vmem>> -> memref<1x128x128xf32, #tpu.memory_space<vmem>>
      %dma_start3A_174 = tpu.memref_squeeze %dma_start3A_173 : memref<1x128x128xf32, #tpu.memory_space<vmem>> -> memref<128x128xf32, #tpu.memory_space<vmem>>
      %dma_start3A_175 = arith.constant 0 : i32
      %dma_start3A_176 = tpu.memref_slice %arg4[%add3A_169, %dma_start3A_175] : memref<262144x128xf32, #tpu.memory_space<hbm>> -> memref<128x128xf32, #tpu.memory_space<hbm>>
      %dma_start3A_177 = arith.constant 0 : i32
      %dma_start3A_178 = tpu.memref_slice %arg4[%add3A_169, %dma_start3A_177] : memref<262144x128xf32, #tpu.memory_space<hbm>> -> memref<128x128xf32, #tpu.memory_space<hbm>>
      %dma_start3A_179 = arith.constant 0 : i32
      %dma_start3A_180 = arith.constant 0 : i32
      %dma_start3A_181 = tpu.memref_slice %arg6[%dma_start3A_170, %dma_start3A_179, %dma_start3A_180] : memref<4x128x128xf32, #tpu.memory_space<vmem>> -> memref<1x128x128xf32, #tpu.memory_space<vmem>>
      %dma_start3A_182 = tpu.memref_squeeze %dma_start3A_181 : memref<1x128x128xf32, #tpu.memory_space<vmem>> -> memref<128x128xf32, #tpu.memory_space<vmem>>
      tpu.enqueue_dma source(%dma_start3A_182 : memref<128x128xf32, #tpu.memory_space<vmem>>) target(%dma_start3A_178 : memref<128x128xf32, #tpu.memory_space<hbm>>) target_semaphore(%arg12 : memref<!tpu.dma_semaphore, #tpu.memory_space<semaphore_mem>>)
      %dma_wait3A_183 = arith.constant 2 : i32
      %dma_wait3A_184 = arith.constant 0 : i32
      %dma_wait3A_185 = arith.constant 0 : i32
      %dma_wait3A_186 = tpu.memref_slice %arg6[%dma_wait3A_183, %dma_wait3A_184, %dma_wait3A_185] : memref<4x128x128xf32, #tpu.memory_space<vmem>> -> memref<1x128x128xf32, #tpu.memory_space<vmem>>
      %dma_wait3A_187 = tpu.memref_squeeze %dma_wait3A_186 : memref<1x128x128xf32, #tpu.memory_space<vmem>> -> memref<128x128xf32, #tpu.memory_space<vmem>>
      %dma_wait3A_188 = arith.constant 0 : i32
      %dma_wait3A_189 = arith.constant 0 : i32
      %dma_wait3A_190 = tpu.memref_slice %arg2[%dma_wait3A_188, %dma_wait3A_189] : memref<4096x128xf32, #tpu.memory_space<hbm>> -> memref<128x128xf32, #tpu.memory_space<hbm>>
      %dma_wait3A_191 = arith.constant 0 : i32
      %dma_wait3A_192 = arith.constant 0 : i32
      %dma_wait3A_193 = tpu.memref_slice %arg6[%dma_wait3A_183, %dma_wait3A_191, %dma_wait3A_192] : memref<4x128x128xf32, #tpu.memory_space<vmem>> -> memref<1x128x128xf32, #tpu.memory_space<vmem>>
      %dma_wait3A_194 = tpu.memref_squeeze %dma_wait3A_193 : memref<1x128x128xf32, #tpu.memory_space<vmem>> -> memref<128x128xf32, #tpu.memory_space<vmem>>
      %dma_wait3A_195 = arith.constant 0 : i32
      %dma_wait3A_196 = arith.constant 0 : i32
      %dma_wait3A_197 = tpu.memref_slice %arg2[%dma_wait3A_195, %dma_wait3A_196] : memref<4096x128xf32, #tpu.memory_space<hbm>> -> memref<128x128xf32, #tpu.memory_space<hbm>>
      tpu.wait_dma2 semaphore(%arg9 : memref<!tpu.dma_semaphore, #tpu.memory_space<semaphore_mem>>) src(%dma_wait3A_197 : memref<128x128xf32, #tpu.memory_space<hbm>>) dst(%dma_wait3A_194 : memref<128x128xf32, #tpu.memory_space<vmem>>)
      %add3A_198 = arith.constant 2 : i32
      %add3A_199 = arith.addi %mul3A_116, %add3A_198 : i32
      %mul3A_200 = arith.constant 128 : i32
      %mul3A_201 = arith.muli %add3A_199, %mul3A_200 : i32
      %add3A_202 = arith.addi %mul3A_2, %mul3A_201 : i32
      %dma_start3A_203 = arith.constant 2 : i32
      %dma_start3A_204 = arith.constant 0 : i32
      %dma_start3A_205 = arith.constant 0 : i32
      %dma_start3A_206 = tpu.memref_slice %arg6[%dma_start3A_203, %dma_start3A_204, %dma_start3A_205] : memref<4x128x128xf32, #tpu.memory_space<vmem>> -> memref<1x128x128xf32, #tpu.memory_space<vmem>>
      %dma_start3A_207 = tpu.memref_squeeze %dma_start3A_206 : memref<1x128x128xf32, #tpu.memory_space<vmem>> -> memref<128x128xf32, #tpu.memory_space<vmem>>
      %dma_start3A_208 = arith.constant 0 : i32
      %dma_start3A_209 = tpu.memref_slice %arg4[%add3A_202, %dma_start3A_208] : memref<262144x128xf32, #tpu.memory_space<hbm>> -> memref<128x128xf32, #tpu.memory_space<hbm>>
      %dma_start3A_210 = arith.constant 0 : i32
      %dma_start3A_211 = tpu.memref_slice %arg4[%add3A_202, %dma_start3A_210] : memref<262144x128xf32, #tpu.memory_space<hbm>> -> memref<128x128xf32, #tpu.memory_space<hbm>>
      %dma_start3A_212 = arith.constant 0 : i32
      %dma_start3A_213 = arith.constant 0 : i32
      %dma_start3A_214 = tpu.memref_slice %arg6[%dma_start3A_203, %dma_start3A_212, %dma_start3A_213] : memref<4x128x128xf32, #tpu.memory_space<vmem>> -> memref<1x128x128xf32, #tpu.memory_space<vmem>>
      %dma_start3A_215 = tpu.memref_squeeze %dma_start3A_214 : memref<1x128x128xf32, #tpu.memory_space<vmem>> -> memref<128x128xf32, #tpu.memory_space<vmem>>
      tpu.enqueue_dma source(%dma_start3A_215 : memref<128x128xf32, #tpu.memory_space<vmem>>) target(%dma_start3A_211 : memref<128x128xf32, #tpu.memory_space<hbm>>) target_semaphore(%arg13 : memref<!tpu.dma_semaphore, #tpu.memory_space<semaphore_mem>>)
      %dma_wait3A_216 = arith.constant 3 : i32
      %dma_wait3A_217 = arith.constant 0 : i32
      %dma_wait3A_218 = arith.constant 0 : i32
      %dma_wait3A_219 = tpu.memref_slice %arg6[%dma_wait3A_216, %dma_wait3A_217, %dma_wait3A_218] : memref<4x128x128xf32, #tpu.memory_space<vmem>> -> memref<1x128x128xf32, #tpu.memory_space<vmem>>
      %dma_wait3A_220 = tpu.memref_squeeze %dma_wait3A_219 : memref<1x128x128xf32, #tpu.memory_space<vmem>> -> memref<128x128xf32, #tpu.memory_space<vmem>>
      %dma_wait3A_221 = arith.constant 0 : i32
      %dma_wait3A_222 = arith.constant 0 : i32
      %dma_wait3A_223 = tpu.memref_slice %arg2[%dma_wait3A_221, %dma_wait3A_222] : memref<4096x128xf32, #tpu.memory_space<hbm>> -> memref<128x128xf32, #tpu.memory_space<hbm>>
      %dma_wait3A_224 = arith.constant 0 : i32
      %dma_wait3A_225 = arith.constant 0 : i32
      %dma_wait3A_226 = tpu.memref_slice %arg6[%dma_wait3A_216, %dma_wait3A_224, %dma_wait3A_225] : memref<4x128x128xf32, #tpu.memory_space<vmem>> -> memref<1x128x128xf32, #tpu.memory_space<vmem>>
      %dma_wait3A_227 = tpu.memref_squeeze %dma_wait3A_226 : memref<1x128x128xf32, #tpu.memory_space<vmem>> -> memref<128x128xf32, #tpu.memory_space<vmem>>
      %dma_wait3A_228 = arith.constant 0 : i32
      %dma_wait3A_229 = arith.constant 0 : i32
      %dma_wait3A_230 = tpu.memref_slice %arg2[%dma_wait3A_228, %dma_wait3A_229] : memref<4096x128xf32, #tpu.memory_space<hbm>> -> memref<128x128xf32, #tpu.memory_space<hbm>>
      tpu.wait_dma2 semaphore(%arg10 : memref<!tpu.dma_semaphore, #tpu.memory_space<semaphore_mem>>) src(%dma_wait3A_230 : memref<128x128xf32, #tpu.memory_space<hbm>>) dst(%dma_wait3A_227 : memref<128x128xf32, #tpu.memory_space<vmem>>)
      %add3A_231 = arith.constant 3 : i32
      %add3A_232 = arith.addi %mul3A_116, %add3A_231 : i32
      %mul3A_233 = arith.constant 128 : i32
      %mul3A_234 = arith.muli %add3A_232, %mul3A_233 : i32
      %add3A_235 = arith.addi %mul3A_2, %mul3A_234 : i32
      %dma_start3A_236 = arith.constant 3 : i32
      %dma_start3A_237 = arith.constant 0 : i32
      %dma_start3A_238 = arith.constant 0 : i32
      %dma_start3A_239 = tpu.memref_slice %arg6[%dma_start3A_236, %dma_start3A_237, %dma_start3A_238] : memref<4x128x128xf32, #tpu.memory_space<vmem>> -> memref<1x128x128xf32, #tpu.memory_space<vmem>>
      %dma_start3A_240 = tpu.memref_squeeze %dma_start3A_239 : memref<1x128x128xf32, #tpu.memory_space<vmem>> -> memref<128x128xf32, #tpu.memory_space<vmem>>
      %dma_start3A_241 = arith.constant 0 : i32
      %dma_start3A_242 = tpu.memref_slice %arg4[%add3A_235, %dma_start3A_241] : memref<262144x128xf32, #tpu.memory_space<hbm>> -> memref<128x128xf32, #tpu.memory_space<hbm>>
      %dma_start3A_243 = arith.constant 0 : i32
      %dma_start3A_244 = tpu.memref_slice %arg4[%add3A_235, %dma_start3A_243] : memref<262144x128xf32, #tpu.memory_space<hbm>> -> memref<128x128xf32, #tpu.memory_space<hbm>>
      %dma_start3A_245 = arith.constant 0 : i32
      %dma_start3A_246 = arith.constant 0 : i32
      %dma_start3A_247 = tpu.memref_slice %arg6[%dma_start3A_236, %dma_start3A_245, %dma_start3A_246] : memref<4x128x128xf32, #tpu.memory_space<vmem>> -> memref<1x128x128xf32, #tpu.memory_space<vmem>>
      %dma_start3A_248 = tpu.memref_squeeze %dma_start3A_247 : memref<1x128x128xf32, #tpu.memory_space<vmem>> -> memref<128x128xf32, #tpu.memory_space<vmem>>
      tpu.enqueue_dma source(%dma_start3A_248 : memref<128x128xf32, #tpu.memory_space<vmem>>) target(%dma_start3A_244 : memref<128x128xf32, #tpu.memory_space<hbm>>) target_semaphore(%arg14 : memref<!tpu.dma_semaphore, #tpu.memory_space<semaphore_mem>>)
      %lt3A = arith.constant 15 : i32
      %lt3A_249 = arith.cmpi slt, %scan3A_114, %lt3A : i32
      %convert_element_type3A = arith.extui %lt3A_249 : i1 to i32
      %cond3A = arith.constant 0 : i32
      %cond3A_250 = arith.cmpi ne, %convert_element_type3A, %cond3A : i32
      scf.if %cond3A_250 {
        %dma_wait3A_266 = arith.constant 0 : i32
        %dma_wait3A_267 = arith.constant 0 : i32
        %dma_wait3A_268 = arith.constant 0 : i32
        %dma_wait3A_269 = tpu.memref_slice %arg6[%dma_wait3A_266, %dma_wait3A_267, %dma_wait3A_268] : memref<4x128x128xf32, #tpu.memory_space<vmem>> -> memref<1x128x128xf32, #tpu.memory_space<vmem>>
        %dma_wait3A_270 = tpu.memref_squeeze %dma_wait3A_269 : memref<1x128x128xf32, #tpu.memory_space<vmem>> -> memref<128x128xf32, #tpu.memory_space<vmem>>
        %dma_wait3A_271 = arith.constant 0 : i32
        %dma_wait3A_272 = arith.constant 0 : i32
        %dma_wait3A_273 = tpu.memref_slice %arg4[%dma_wait3A_271, %dma_wait3A_272] : memref<262144x128xf32, #tpu.memory_space<hbm>> -> memref<128x128xf32, #tpu.memory_space<hbm>>
        %dma_wait3A_274 = arith.constant 0 : i32
        %dma_wait3A_275 = arith.constant 0 : i32
        %dma_wait3A_276 = tpu.memref_slice %arg4[%dma_wait3A_274, %dma_wait3A_275] : memref<262144x128xf32, #tpu.memory_space<hbm>> -> memref<128x128xf32, #tpu.memory_space<hbm>>
        %dma_wait3A_277 = arith.constant 0 : i32
        %dma_wait3A_278 = arith.constant 0 : i32
        %dma_wait3A_279 = tpu.memref_slice %arg6[%dma_wait3A_266, %dma_wait3A_277, %dma_wait3A_278] : memref<4x128x128xf32, #tpu.memory_space<vmem>> -> memref<1x128x128xf32, #tpu.memory_space<vmem>>
        %dma_wait3A_280 = tpu.memref_squeeze %dma_wait3A_279 : memref<1x128x128xf32, #tpu.memory_space<vmem>> -> memref<128x128xf32, #tpu.memory_space<vmem>>
        tpu.wait_dma2 semaphore(%arg11 : memref<!tpu.dma_semaphore, #tpu.memory_space<semaphore_mem>>) src(%dma_wait3A_280 : memref<128x128xf32, #tpu.memory_space<vmem>>) dst(%dma_wait3A_276 : memref<128x128xf32, #tpu.memory_space<hbm>>)
        %add3A_281 = arith.constant 4 : i32
        %add3A_282 = arith.addi %mul3A_116, %add3A_281 : i32
        %add3A_283 = arith.constant 0 : i32
        %add3A_284 = arith.addi %add3A_282, %add3A_283 : i32
        %dma_start3A_285 = arith.constant 0 : i32
        %dma_start3A_286 = arith.constant 0 : i32
        %dma_start3A_287 = arith.constant 0 : i32
        %dma_start3A_288 = tpu.memref_slice %arg6[%dma_start3A_285, %dma_start3A_286, %dma_start3A_287] : memref<4x128x128xf32, #tpu.memory_space<vmem>> -> memref<1x128x128xf32, #tpu.memory_space<vmem>>
        %dma_start3A_289 = tpu.memref_squeeze %dma_start3A_288 : memref<1x128x128xf32, #tpu.memory_space<vmem>> -> memref<128x128xf32, #tpu.memory_space<vmem>>
        %dma_start3A_290 = arith.constant 0 : i32
        %dma_start3A_291 = tpu.memref_slice %arg5[%add3A_284, %dma_start3A_290] : memref<64x128xi32, #tpu.memory_space<vmem>> -> memref<1x128xi32, #tpu.memory_space<vmem>>
        %dma_start3A_292 = tpu.memref_squeeze %dma_start3A_291 : memref<1x128xi32, #tpu.memory_space<vmem>> -> memref<128xi32, #tpu.memory_space<vmem>>
        %dma_start3A_293 = arith.constant 0 : i32
        %dma_start3A_294 = arith.constant 0 : i32
        %dma_start3A_295 = tpu.memref_slice %arg2[%dma_start3A_293, %dma_start3A_294] : memref<4096x128xf32, #tpu.memory_space<hbm>> -> memref<4096x128xf32, #tpu.memory_space<hbm>>
        tpu.enqueue_indirect_dma source(%dma_start3A_295 : memref<4096x128xf32, #tpu.memory_space<hbm>>) target(%dma_start3A_289 : memref<128x128xf32, #tpu.memory_space<vmem>>) offsets(%dma_start3A_292 : memref<128xi32, #tpu.memory_space<vmem>>) semaphore(%arg7 : memref<!tpu.dma_semaphore, #tpu.memory_space<semaphore_mem>>)
      } else {
      }
      %lt3A_251 = arith.constant 15 : i32
      %lt3A_252 = arith.cmpi slt, %scan3A_114, %lt3A_251 : i32
      %convert_element_type3A_253 = arith.extui %lt3A_252 : i1 to i32
      %cond3A_254 = arith.constant 0 : i32
      %cond3A_255 = arith.cmpi ne, %convert_element_type3A_253, %cond3A_254 : i32
      scf.if %cond3A_255 {
        %dma_wait3A_266 = arith.constant 1 : i32
        %dma_wait3A_267 = arith.constant 0 : i32
        %dma_wait3A_268 = arith.constant 0 : i32
        %dma_wait3A_269 = tpu.memref_slice %arg6[%dma_wait3A_266, %dma_wait3A_267, %dma_wait3A_268] : memref<4x128x128xf32, #tpu.memory_space<vmem>> -> memref<1x128x128xf32, #tpu.memory_space<vmem>>
        %dma_wait3A_270 = tpu.memref_squeeze %dma_wait3A_269 : memref<1x128x128xf32, #tpu.memory_space<vmem>> -> memref<128x128xf32, #tpu.memory_space<vmem>>
        %dma_wait3A_271 = arith.constant 0 : i32
        %dma_wait3A_272 = arith.constant 0 : i32
        %dma_wait3A_273 = tpu.memref_slice %arg4[%dma_wait3A_271, %dma_wait3A_272] : memref<262144x128xf32, #tpu.memory_space<hbm>> -> memref<128x128xf32, #tpu.memory_space<hbm>>
        %dma_wait3A_274 = arith.constant 0 : i32
        %dma_wait3A_275 = arith.constant 0 : i32
        %dma_wait3A_276 = tpu.memref_slice %arg4[%dma_wait3A_274, %dma_wait3A_275] : memref<262144x128xf32, #tpu.memory_space<hbm>> -> memref<128x128xf32, #tpu.memory_space<hbm>>
        %dma_wait3A_277 = arith.constant 0 : i32
        %dma_wait3A_278 = arith.constant 0 : i32
        %dma_wait3A_279 = tpu.memref_slice %arg6[%dma_wait3A_266, %dma_wait3A_277, %dma_wait3A_278] : memref<4x128x128xf32, #tpu.memory_space<vmem>> -> memref<1x128x128xf32, #tpu.memory_space<vmem>>
        %dma_wait3A_280 = tpu.memref_squeeze %dma_wait3A_279 : memref<1x128x128xf32, #tpu.memory_space<vmem>> -> memref<128x128xf32, #tpu.memory_space<vmem>>
        tpu.wait_dma2 semaphore(%arg12 : memref<!tpu.dma_semaphore, #tpu.memory_space<semaphore_mem>>) src(%dma_wait3A_280 : memref<128x128xf32, #tpu.memory_space<vmem>>) dst(%dma_wait3A_276 : memref<128x128xf32, #tpu.memory_space<hbm>>)
        %add3A_281 = arith.constant 4 : i32
        %add3A_282 = arith.addi %mul3A_116, %add3A_281 : i32
        %add3A_283 = arith.constant 1 : i32
        %add3A_284 = arith.addi %add3A_282, %add3A_283 : i32
        %dma_start3A_285 = arith.constant 1 : i32
        %dma_start3A_286 = arith.constant 0 : i32
        %dma_start3A_287 = arith.constant 0 : i32
        %dma_start3A_288 = tpu.memref_slice %arg6[%dma_start3A_285, %dma_start3A_286, %dma_start3A_287] : memref<4x128x128xf32, #tpu.memory_space<vmem>> -> memref<1x128x128xf32, #tpu.memory_space<vmem>>
        %dma_start3A_289 = tpu.memref_squeeze %dma_start3A_288 : memref<1x128x128xf32, #tpu.memory_space<vmem>> -> memref<128x128xf32, #tpu.memory_space<vmem>>
        %dma_start3A_290 = arith.constant 0 : i32
        %dma_start3A_291 = tpu.memref_slice %arg5[%add3A_284, %dma_start3A_290] : memref<64x128xi32, #tpu.memory_space<vmem>> -> memref<1x128xi32, #tpu.memory_space<vmem>>
        %dma_start3A_292 = tpu.memref_squeeze %dma_start3A_291 : memref<1x128xi32, #tpu.memory_space<vmem>> -> memref<128xi32, #tpu.memory_space<vmem>>
        %dma_start3A_293 = arith.constant 0 : i32
        %dma_start3A_294 = arith.constant 0 : i32
        %dma_start3A_295 = tpu.memref_slice %arg2[%dma_start3A_293, %dma_start3A_294] : memref<4096x128xf32, #tpu.memory_space<hbm>> -> memref<4096x128xf32, #tpu.memory_space<hbm>>
        tpu.enqueue_indirect_dma source(%dma_start3A_295 : memref<4096x128xf32, #tpu.memory_space<hbm>>) target(%dma_start3A_289 : memref<128x128xf32, #tpu.memory_space<vmem>>) offsets(%dma_start3A_292 : memref<128xi32, #tpu.memory_space<vmem>>) semaphore(%arg8 : memref<!tpu.dma_semaphore, #tpu.memory_space<semaphore_mem>>)
      } else {
      }
      %lt3A_256 = arith.constant 15 : i32
      %lt3A_257 = arith.cmpi slt, %scan3A_114, %lt3A_256 : i32
      %convert_element_type3A_258 = arith.extui %lt3A_257 : i1 to i32
      %cond3A_259 = arith.constant 0 : i32
      %cond3A_260 = arith.cmpi ne, %convert_element_type3A_258, %cond3A_259 : i32
      scf.if %cond3A_260 {
        %dma_wait3A_266 = arith.constant 2 : i32
        %dma_wait3A_267 = arith.constant 0 : i32
        %dma_wait3A_268 = arith.constant 0 : i32
        %dma_wait3A_269 = tpu.memref_slice %arg6[%dma_wait3A_266, %dma_wait3A_267, %dma_wait3A_268] : memref<4x128x128xf32, #tpu.memory_space<vmem>> -> memref<1x128x128xf32, #tpu.memory_space<vmem>>
        %dma_wait3A_270 = tpu.memref_squeeze %dma_wait3A_269 : memref<1x128x128xf32, #tpu.memory_space<vmem>> -> memref<128x128xf32, #tpu.memory_space<vmem>>
        %dma_wait3A_271 = arith.constant 0 : i32
        %dma_wait3A_272 = arith.constant 0 : i32
        %dma_wait3A_273 = tpu.memref_slice %arg4[%dma_wait3A_271, %dma_wait3A_272] : memref<262144x128xf32, #tpu.memory_space<hbm>> -> memref<128x128xf32, #tpu.memory_space<hbm>>
        %dma_wait3A_274 = arith.constant 0 : i32
        %dma_wait3A_275 = arith.constant 0 : i32
        %dma_wait3A_276 = tpu.memref_slice %arg4[%dma_wait3A_274, %dma_wait3A_275] : memref<262144x128xf32, #tpu.memory_space<hbm>> -> memref<128x128xf32, #tpu.memory_space<hbm>>
        %dma_wait3A_277 = arith.constant 0 : i32
        %dma_wait3A_278 = arith.constant 0 : i32
        %dma_wait3A_279 = tpu.memref_slice %arg6[%dma_wait3A_266, %dma_wait3A_277, %dma_wait3A_278] : memref<4x128x128xf32, #tpu.memory_space<vmem>> -> memref<1x128x128xf32, #tpu.memory_space<vmem>>
        %dma_wait3A_280 = tpu.memref_squeeze %dma_wait3A_279 : memref<1x128x128xf32, #tpu.memory_space<vmem>> -> memref<128x128xf32, #tpu.memory_space<vmem>>
        tpu.wait_dma2 semaphore(%arg13 : memref<!tpu.dma_semaphore, #tpu.memory_space<semaphore_mem>>) src(%dma_wait3A_280 : memref<128x128xf32, #tpu.memory_space<vmem>>) dst(%dma_wait3A_276 : memref<128x128xf32, #tpu.memory_space<hbm>>)
        %add3A_281 = arith.constant 4 : i32
        %add3A_282 = arith.addi %mul3A_116, %add3A_281 : i32
        %add3A_283 = arith.constant 2 : i32
        %add3A_284 = arith.addi %add3A_282, %add3A_283 : i32
        %dma_start3A_285 = arith.constant 2 : i32
        %dma_start3A_286 = arith.constant 0 : i32
        %dma_start3A_287 = arith.constant 0 : i32
        %dma_start3A_288 = tpu.memref_slice %arg6[%dma_start3A_285, %dma_start3A_286, %dma_start3A_287] : memref<4x128x128xf32, #tpu.memory_space<vmem>> -> memref<1x128x128xf32, #tpu.memory_space<vmem>>
        %dma_start3A_289 = tpu.memref_squeeze %dma_start3A_288 : memref<1x128x128xf32, #tpu.memory_space<vmem>> -> memref<128x128xf32, #tpu.memory_space<vmem>>
        %dma_start3A_290 = arith.constant 0 : i32
        %dma_start3A_291 = tpu.memref_slice %arg5[%add3A_284, %dma_start3A_290] : memref<64x128xi32, #tpu.memory_space<vmem>> -> memref<1x128xi32, #tpu.memory_space<vmem>>
        %dma_start3A_292 = tpu.memref_squeeze %dma_start3A_291 : memref<1x128xi32, #tpu.memory_space<vmem>> -> memref<128xi32, #tpu.memory_space<vmem>>
        %dma_start3A_293 = arith.constant 0 : i32
        %dma_start3A_294 = arith.constant 0 : i32
        %dma_start3A_295 = tpu.memref_slice %arg2[%dma_start3A_293, %dma_start3A_294] : memref<4096x128xf32, #tpu.memory_space<hbm>> -> memref<4096x128xf32, #tpu.memory_space<hbm>>
        tpu.enqueue_indirect_dma source(%dma_start3A_295 : memref<4096x128xf32, #tpu.memory_space<hbm>>) target(%dma_start3A_289 : memref<128x128xf32, #tpu.memory_space<vmem>>) offsets(%dma_start3A_292 : memref<128xi32, #tpu.memory_space<vmem>>) semaphore(%arg9 : memref<!tpu.dma_semaphore, #tpu.memory_space<semaphore_mem>>)
      } else {
      }
      %lt3A_261 = arith.constant 15 : i32
      %lt3A_262 = arith.cmpi slt, %scan3A_114, %lt3A_261 : i32
      %convert_element_type3A_263 = arith.extui %lt3A_262 : i1 to i32
      %cond3A_264 = arith.constant 0 : i32
      %cond3A_265 = arith.cmpi ne, %convert_element_type3A_263, %cond3A_264 : i32
      scf.if %cond3A_265 {
        %dma_wait3A_266 = arith.constant 3 : i32
        %dma_wait3A_267 = arith.constant 0 : i32
        %dma_wait3A_268 = arith.constant 0 : i32
        %dma_wait3A_269 = tpu.memref_slice %arg6[%dma_wait3A_266, %dma_wait3A_267, %dma_wait3A_268] : memref<4x128x128xf32, #tpu.memory_space<vmem>> -> memref<1x128x128xf32, #tpu.memory_space<vmem>>
        %dma_wait3A_270 = tpu.memref_squeeze %dma_wait3A_269 : memref<1x128x128xf32, #tpu.memory_space<vmem>> -> memref<128x128xf32, #tpu.memory_space<vmem>>
        %dma_wait3A_271 = arith.constant 0 : i32
        %dma_wait3A_272 = arith.constant 0 : i32
        %dma_wait3A_273 = tpu.memref_slice %arg4[%dma_wait3A_271, %dma_wait3A_272] : memref<262144x128xf32, #tpu.memory_space<hbm>> -> memref<128x128xf32, #tpu.memory_space<hbm>>
        %dma_wait3A_274 = arith.constant 0 : i32
        %dma_wait3A_275 = arith.constant 0 : i32
        %dma_wait3A_276 = tpu.memref_slice %arg4[%dma_wait3A_274, %dma_wait3A_275] : memref<262144x128xf32, #tpu.memory_space<hbm>> -> memref<128x128xf32, #tpu.memory_space<hbm>>
        %dma_wait3A_277 = arith.constant 0 : i32
        %dma_wait3A_278 = arith.constant 0 : i32
        %dma_wait3A_279 = tpu.memref_slice %arg6[%dma_wait3A_266, %dma_wait3A_277, %dma_wait3A_278] : memref<4x128x128xf32, #tpu.memory_space<vmem>> -> memref<1x128x128xf32, #tpu.memory_space<vmem>>
        %dma_wait3A_280 = tpu.memref_squeeze %dma_wait3A_279 : memref<1x128x128xf32, #tpu.memory_space<vmem>> -> memref<128x128xf32, #tpu.memory_space<vmem>>
        tpu.wait_dma2 semaphore(%arg14 : memref<!tpu.dma_semaphore, #tpu.memory_space<semaphore_mem>>) src(%dma_wait3A_280 : memref<128x128xf32, #tpu.memory_space<vmem>>) dst(%dma_wait3A_276 : memref<128x128xf32, #tpu.memory_space<hbm>>)
        %add3A_281 = arith.constant 4 : i32
        %add3A_282 = arith.addi %mul3A_116, %add3A_281 : i32
        %add3A_283 = arith.constant 3 : i32
        %add3A_284 = arith.addi %add3A_282, %add3A_283 : i32
        %dma_start3A_285 = arith.constant 3 : i32
        %dma_start3A_286 = arith.constant 0 : i32
        %dma_start3A_287 = arith.constant 0 : i32
        %dma_start3A_288 = tpu.memref_slice %arg6[%dma_start3A_285, %dma_start3A_286, %dma_start3A_287] : memref<4x128x128xf32, #tpu.memory_space<vmem>> -> memref<1x128x128xf32, #tpu.memory_space<vmem>>
        %dma_start3A_289 = tpu.memref_squeeze %dma_start3A_288 : memref<1x128x128xf32, #tpu.memory_space<vmem>> -> memref<128x128xf32, #tpu.memory_space<vmem>>
        %dma_start3A_290 = arith.constant 0 : i32
        %dma_start3A_291 = tpu.memref_slice %arg5[%add3A_284, %dma_start3A_290] : memref<64x128xi32, #tpu.memory_space<vmem>> -> memref<1x128xi32, #tpu.memory_space<vmem>>
        %dma_start3A_292 = tpu.memref_squeeze %dma_start3A_291 : memref<1x128xi32, #tpu.memory_space<vmem>> -> memref<128xi32, #tpu.memory_space<vmem>>
        %dma_start3A_293 = arith.constant 0 : i32
        %dma_start3A_294 = arith.constant 0 : i32
        %dma_start3A_295 = tpu.memref_slice %arg2[%dma_start3A_293, %dma_start3A_294] : memref<4096x128xf32, #tpu.memory_space<hbm>> -> memref<4096x128xf32, #tpu.memory_space<hbm>>
        tpu.enqueue_indirect_dma source(%dma_start3A_295 : memref<4096x128xf32, #tpu.memory_space<hbm>>) target(%dma_start3A_289 : memref<128x128xf32, #tpu.memory_space<vmem>>) offsets(%dma_start3A_292 : memref<128xi32, #tpu.memory_space<vmem>>) semaphore(%arg10 : memref<!tpu.dma_semaphore, #tpu.memory_space<semaphore_mem>>)
      } else {
      }
    }
    %scan3A_54 = arith.constant 16 : i32
    %dma_wait3A = arith.constant 0 : i32
    %dma_wait3A_55 = arith.constant 0 : i32
    %dma_wait3A_56 = arith.constant 0 : i32
    %dma_wait3A_57 = tpu.memref_slice %arg6[%dma_wait3A, %dma_wait3A_55, %dma_wait3A_56] : memref<4x128x128xf32, #tpu.memory_space<vmem>> -> memref<1x128x128xf32, #tpu.memory_space<vmem>>
    %dma_wait3A_58 = tpu.memref_squeeze %dma_wait3A_57 : memref<1x128x128xf32, #tpu.memory_space<vmem>> -> memref<128x128xf32, #tpu.memory_space<vmem>>
    %dma_wait3A_59 = arith.constant 0 : i32
    %dma_wait3A_60 = arith.constant 0 : i32
    %dma_wait3A_61 = tpu.memref_slice %arg4[%dma_wait3A_59, %dma_wait3A_60] : memref<262144x128xf32, #tpu.memory_space<hbm>> -> memref<128x128xf32, #tpu.memory_space<hbm>>
    %dma_wait3A_62 = arith.constant 0 : i32
    %dma_wait3A_63 = arith.constant 0 : i32
    %dma_wait3A_64 = tpu.memref_slice %arg4[%dma_wait3A_62, %dma_wait3A_63] : memref<262144x128xf32, #tpu.memory_space<hbm>> -> memref<128x128xf32, #tpu.memory_space<hbm>>
    %dma_wait3A_65 = arith.constant 0 : i32
    %dma_wait3A_66 = arith.constant 0 : i32
    %dma_wait3A_67 = tpu.memref_slice %arg6[%dma_wait3A, %dma_wait3A_65, %dma_wait3A_66] : memref<4x128x128xf32, #tpu.memory_space<vmem>> -> memref<1x128x128xf32, #tpu.memory_space<vmem>>
    %dma_wait3A_68 = tpu.memref_squeeze %dma_wait3A_67 : memref<1x128x128xf32, #tpu.memory_space<vmem>> -> memref<128x128xf32, #tpu.memory_space<vmem>>
    tpu.wait_dma2 semaphore(%arg11 : memref<!tpu.dma_semaphore, #tpu.memory_space<semaphore_mem>>) src(%dma_wait3A_68 : memref<128x128xf32, #tpu.memory_space<vmem>>) dst(%dma_wait3A_64 : memref<128x128xf32, #tpu.memory_space<hbm>>)
    %dma_wait3A_69 = arith.constant 1 : i32
    %dma_wait3A_70 = arith.constant 0 : i32
    %dma_wait3A_71 = arith.constant 0 : i32
    %dma_wait3A_72 = tpu.memref_slice %arg6[%dma_wait3A_69, %dma_wait3A_70, %dma_wait3A_71] : memref<4x128x128xf32, #tpu.memory_space<vmem>> -> memref<1x128x128xf32, #tpu.memory_space<vmem>>
    %dma_wait3A_73 = tpu.memref_squeeze %dma_wait3A_72 : memref<1x128x128xf32, #tpu.memory_space<vmem>> -> memref<128x128xf32, #tpu.memory_space<vmem>>
    %dma_wait3A_74 = arith.constant 0 : i32
    %dma_wait3A_75 = arith.constant 0 : i32
    %dma_wait3A_76 = tpu.memref_slice %arg4[%dma_wait3A_74, %dma_wait3A_75] : memref<262144x128xf32, #tpu.memory_space<hbm>> -> memref<128x128xf32, #tpu.memory_space<hbm>>
    %dma_wait3A_77 = arith.constant 0 : i32
    %dma_wait3A_78 = arith.constant 0 : i32
    %dma_wait3A_79 = tpu.memref_slice %arg4[%dma_wait3A_77, %dma_wait3A_78] : memref<262144x128xf32, #tpu.memory_space<hbm>> -> memref<128x128xf32, #tpu.memory_space<hbm>>
    %dma_wait3A_80 = arith.constant 0 : i32
    %dma_wait3A_81 = arith.constant 0 : i32
    %dma_wait3A_82 = tpu.memref_slice %arg6[%dma_wait3A_69, %dma_wait3A_80, %dma_wait3A_81] : memref<4x128x128xf32, #tpu.memory_space<vmem>> -> memref<1x128x128xf32, #tpu.memory_space<vmem>>
    %dma_wait3A_83 = tpu.memref_squeeze %dma_wait3A_82 : memref<1x128x128xf32, #tpu.memory_space<vmem>> -> memref<128x128xf32, #tpu.memory_space<vmem>>
    tpu.wait_dma2 semaphore(%arg12 : memref<!tpu.dma_semaphore, #tpu.memory_space<semaphore_mem>>) src(%dma_wait3A_83 : memref<128x128xf32, #tpu.memory_space<vmem>>) dst(%dma_wait3A_79 : memref<128x128xf32, #tpu.memory_space<hbm>>)
    %dma_wait3A_84 = arith.constant 2 : i32
    %dma_wait3A_85 = arith.constant 0 : i32
    %dma_wait3A_86 = arith.constant 0 : i32
    %dma_wait3A_87 = tpu.memref_slice %arg6[%dma_wait3A_84, %dma_wait3A_85, %dma_wait3A_86] : memref<4x128x128xf32, #tpu.memory_space<vmem>> -> memref<1x128x128xf32, #tpu.memory_space<vmem>>
    %dma_wait3A_88 = tpu.memref_squeeze %dma_wait3A_87 : memref<1x128x128xf32, #tpu.memory_space<vmem>> -> memref<128x128xf32, #tpu.memory_space<vmem>>
    %dma_wait3A_89 = arith.constant 0 : i32
    %dma_wait3A_90 = arith.constant 0 : i32
    %dma_wait3A_91 = tpu.memref_slice %arg4[%dma_wait3A_89, %dma_wait3A_90] : memref<262144x128xf32, #tpu.memory_space<hbm>> -> memref<128x128xf32, #tpu.memory_space<hbm>>
    %dma_wait3A_92 = arith.constant 0 : i32
    %dma_wait3A_93 = arith.constant 0 : i32
    %dma_wait3A_94 = tpu.memref_slice %arg4[%dma_wait3A_92, %dma_wait3A_93] : memref<262144x128xf32, #tpu.memory_space<hbm>> -> memref<128x128xf32, #tpu.memory_space<hbm>>
    %dma_wait3A_95 = arith.constant 0 : i32
    %dma_wait3A_96 = arith.constant 0 : i32
    %dma_wait3A_97 = tpu.memref_slice %arg6[%dma_wait3A_84, %dma_wait3A_95, %dma_wait3A_96] : memref<4x128x128xf32, #tpu.memory_space<vmem>> -> memref<1x128x128xf32, #tpu.memory_space<vmem>>
    %dma_wait3A_98 = tpu.memref_squeeze %dma_wait3A_97 : memref<1x128x128xf32, #tpu.memory_space<vmem>> -> memref<128x128xf32, #tpu.memory_space<vmem>>
    tpu.wait_dma2 semaphore(%arg13 : memref<!tpu.dma_semaphore, #tpu.memory_space<semaphore_mem>>) src(%dma_wait3A_98 : memref<128x128xf32, #tpu.memory_space<vmem>>) dst(%dma_wait3A_94 : memref<128x128xf32, #tpu.memory_space<hbm>>)
    %dma_wait3A_99 = arith.constant 3 : i32
    %dma_wait3A_100 = arith.constant 0 : i32
    %dma_wait3A_101 = arith.constant 0 : i32
    %dma_wait3A_102 = tpu.memref_slice %arg6[%dma_wait3A_99, %dma_wait3A_100, %dma_wait3A_101] : memref<4x128x128xf32, #tpu.memory_space<vmem>> -> memref<1x128x128xf32, #tpu.memory_space<vmem>>
    %dma_wait3A_103 = tpu.memref_squeeze %dma_wait3A_102 : memref<1x128x128xf32, #tpu.memory_space<vmem>> -> memref<128x128xf32, #tpu.memory_space<vmem>>
    %dma_wait3A_104 = arith.constant 0 : i32
    %dma_wait3A_105 = arith.constant 0 : i32
    %dma_wait3A_106 = tpu.memref_slice %arg4[%dma_wait3A_104, %dma_wait3A_105] : memref<262144x128xf32, #tpu.memory_space<hbm>> -> memref<128x128xf32, #tpu.memory_space<hbm>>
    %dma_wait3A_107 = arith.constant 0 : i32
    %dma_wait3A_108 = arith.constant 0 : i32
    %dma_wait3A_109 = tpu.memref_slice %arg4[%dma_wait3A_107, %dma_wait3A_108] : memref<262144x128xf32, #tpu.memory_space<hbm>> -> memref<128x128xf32, #tpu.memory_space<hbm>>
    %dma_wait3A_110 = arith.constant 0 : i32
    %dma_wait3A_111 = arith.constant 0 : i32
    %dma_wait3A_112 = tpu.memref_slice %arg6[%dma_wait3A_99, %dma_wait3A_110, %dma_wait3A_111] : memref<4x128x128xf32, #tpu.memory_space<vmem>> -> memref<1x128x128xf32, #tpu.memory_space<vmem>>
    %dma_wait3A_113 = tpu.memref_squeeze %dma_wait3A_112 : memref<1x128x128xf32, #tpu.memory_space<vmem>> -> memref<128x128xf32, #tpu.memory_space<vmem>>
    tpu.wait_dma2 semaphore(%arg14 : memref<!tpu.dma_semaphore, #tpu.memory_space<semaphore_mem>>) src(%dma_wait3A_113 : memref<128x128xf32, #tpu.memory_space<vmem>>) dst(%dma_wait3A_109 : memref<128x128xf32, #tpu.memory_space<hbm>>)
    return
  }
}

module attributes {stable_mosaic.version = 14 : i64} {
  func.func @_cutoff_in2f_body(%arg0: i32, %arg1: memref<8x2048xf32, #tpu.memory_space<vmem>>, %arg2: memref<8x2048xf32, #tpu.memory_space<vmem>>, %arg3: memref<256x128xf32, #tpu.memory_space<vmem>>, %arg4: memref<128x128xf32, #tpu.memory_space<vmem>>, %arg5: memref<8x8x2048xf32, #tpu.memory_space<vmem>>, %arg6: memref<256x128xf32, #tpu.memory_space<vmem>>) attributes {dimension_semantics = [#tpu.dimension_semantics<arbitrary>], iteration_bounds = array<i64: 16>, scalar_prefetch = 0 : i64, scratch_operands = 0 : i64, tpu.core_type = #tpu.core_type<tc>, window_params = [{transform_indices = @transform_0, window_bounds = array<i64: 8, 2048>}, {transform_indices = @transform_1, window_bounds = array<i64: 8, 2048>}, {transform_indices = @transform_2, window_bounds = array<i64: 256, 128>}, {pipeline_mode = #tpu.pipeline_mode<synchronous>, transform_indices = @transform_3, window_bounds = array<i64: 128, 128>}, {transform_indices = @transform_4, window_bounds = array<i64: 8, 8, 2048>}, {transform_indices = @transform_5, window_bounds = array<i64: 256, 128>}]} {
    %get3A = arith.constant 0 : index
    %get3A_0 = arith.constant 0 : index
    %get3A_1 = vector.load %arg1[%get3A, %get3A_0] : memref<8x2048xf32, #tpu.memory_space<vmem>>, vector<8x2048xf32>
    %mul3A = arith.constant 0.628318548 : f32
    %mul3A_2 = vector.broadcast %mul3A : f32 to vector<8x2048xf32>
    %mul3A_3 = arith.mulf %get3A_1, %mul3A_2 : vector<8x2048xf32>
    %cos3A = math.cos %mul3A_3 : vector<8x2048xf32>
    %add3A = arith.constant 1.000000e+00 : f32
    %add3A_4 = vector.broadcast %add3A : f32 to vector<8x2048xf32>
    %add3A_5 = arith.addf %cos3A, %add3A_4 : vector<8x2048xf32>
    %mul3A_6 = arith.constant 5.000000e-01 : f32
    %mul3A_7 = vector.broadcast %mul3A_6 : f32 to vector<8x2048xf32>
    %mul3A_8 = arith.mulf %mul3A_7, %add3A_5 : vector<8x2048xf32>
    %lt3A = arith.constant 5.000000e+00 : f32
    %lt3A_9 = vector.broadcast %lt3A : f32 to vector<8x2048xf32>
    %lt3A_10 = arith.cmpf olt, %get3A_1, %lt3A_9 : vector<8x2048xf32>
    %jit3A = arith.constant 0.000000e+00 : f32
    %broadcast_in_dim3A = vector.broadcast %jit3A : f32 to vector<8x2048xf32>
    %select_n3A = arith.select %lt3A_10, %mul3A_8, %broadcast_in_dim3A : vector<8x2048xi1>, vector<8x2048xf32>
    %get3A_11 = arith.constant 0 : index
    %get3A_12 = arith.constant 0 : index
    %get3A_13 = vector.load %arg2[%get3A_11, %get3A_12] : memref<8x2048xf32, #tpu.memory_space<vmem>>, vector<8x2048xf32>
    %mul3A_14 = arith.mulf %select_n3A, %get3A_13 : vector<8x2048xf32>
    %broadcast_in_dim3A_15 = vector.shape_cast %mul3A_14 : vector<8x2048xf32> to vector<8x1x2048xf32>
    %broadcast_in_dim3A_16 = vector.shape_cast %broadcast_in_dim3A_15 : vector<8x1x2048xf32> to vector<8x1x2048xf32>
    %broadcast_in_dim3A_17 = vector.broadcast %broadcast_in_dim3A_16 : vector<8x1x2048xf32> to vector<8x8x2048xf32>
    %swap3A = arith.constant 0 : index
    %swap3A_18 = arith.constant 0 : index
    %swap3A_19 = arith.constant 0 : index
    %swap3A_20 = vector.load %arg5[%swap3A, %swap3A_18, %swap3A_19] : memref<8x8x2048xf32, #tpu.memory_space<vmem>>, vector<8x8x2048xf32>
    tpu.vector_store %arg5[%swap3A, %swap3A_18, %swap3A_19], %broadcast_in_dim3A_17 {strides = array<i32>} : memref<8x8x2048xf32, #tpu.memory_space<vmem>>, vector<8x8x2048xf32>,
    %get3A_21 = arith.constant 0 : index
    %get3A_22 = arith.constant 0 : index
    %get3A_23 = vector.load %arg3[%get3A_21, %get3A_22] : memref<256x128xf32, #tpu.memory_space<vmem>>, vector<256x128xf32>
    %get3A_24 = arith.constant 0 : index
    %get3A_25 = arith.constant 0 : index
    %get3A_26 = vector.load %arg4[%get3A_24, %get3A_25] : memref<128x128xf32, #tpu.memory_space<vmem>>, vector<128x128xf32>
    %dot_general3A = arith.constant dense<0.000000e+00> : vector<256x128xf32>
    %dot_general3A_27 = tpu.matmul %get3A_23, %get3A_26, %dot_general3A {dimension_numbers = #tpu.dot_dimension_numbers<[1], [0], [0], [1], [0, 0, 1, 1], [], []>, transpose_lhs_hint = false} : vector<256x128xf32>, vector<128x128xf32>, vector<256x128xf32> -> vector<256x128xf32>
    %swap3A_28 = arith.constant 0 : index
    %swap3A_29 = arith.constant 0 : index
    %swap3A_30 = vector.load %arg6[%swap3A_28, %swap3A_29] : memref<256x128xf32, #tpu.memory_space<vmem>>, vector<256x128xf32>
    tpu.vector_store %arg6[%swap3A_28, %swap3A_29], %dot_general3A_27 {strides = array<i32>} : memref<256x128xf32, #tpu.memory_space<vmem>>, vector<256x128xf32>,
    return
  }
  func.func @transform_0(%arg0: i32) -> (i32, i32) {
    %c0_i32 = arith.constant 0 : i32
    %c0_i32_0 = arith.constant 0 : i32
    return %arg0, %c0_i32 : i32, i32
  }
  func.func @transform_1(%arg0: i32) -> (i32, i32) {
    %c0_i32 = arith.constant 0 : i32
    %c0_i32_0 = arith.constant 0 : i32
    return %arg0, %c0_i32 : i32, i32
  }
  func.func @transform_2(%arg0: i32) -> (i32, i32) {
    %c0_i32 = arith.constant 0 : i32
    %c0_i32_0 = arith.constant 0 : i32
    return %arg0, %c0_i32 : i32, i32
  }
  func.func @transform_3(%arg0: i32) -> (i32, i32) {
    %c0_i32 = arith.constant 0 : i32
    %c0_i32_0 = arith.constant 0 : i32
    %c0_i32_1 = arith.constant 0 : i32
    return %c0_i32, %c0_i32_0 : i32, i32
  }
  func.func @transform_4(%arg0: i32) -> (i32, i32, i32) {
    %c0_i32 = arith.constant 0 : i32
    %c0_i32_0 = arith.constant 0 : i32
    %c0_i32_1 = arith.constant 0 : i32
    return %arg0, %c0_i32, %c0_i32_0 : i32, i32, i32
  }
  func.func @transform_5(%arg0: i32) -> (i32, i32) {
    %c0_i32 = arith.constant 0 : i32
    %c0_i32_0 = arith.constant 0 : i32
    return %arg0, %c0_i32 : i32, i32
  }
}

module attributes {stable_mosaic.version = 14 : i64} {
  func.func @_fused_body(%arg0: i32, %arg1: i32, %arg2: memref<1x32x64x25xf32, #tpu.memory_space<vmem>>, %arg3: memref<2048x128xf32, #tpu.memory_space<vmem>>, %arg4: memref<1x8x2048xf32, #tpu.memory_space<vmem>>, %arg5: memref<25x128xf32, #tpu.memory_space<vmem>>, %arg6: memref<1x128xf32, #tpu.memory_space<vmem>>, %arg7: memref<128x128xf32, #tpu.memory_space<vmem>>, %arg8: memref<1x128xf32, #tpu.memory_space<vmem>>, %arg9: memref<128x128xf32, #tpu.memory_space<vmem>>, %arg10: memref<1x128xf32, #tpu.memory_space<vmem>>, %arg11: memref<32x128xf32, #tpu.memory_space<vmem>>) attributes {dimension_semantics = [#tpu.dimension_semantics<arbitrary>, #tpu.dimension_semantics<arbitrary>], iteration_bounds = array<i64: 32, 4>, scalar_prefetch = 0 : i64, scratch_operands = 0 : i64, tpu.core_type = #tpu.core_type<tc>, window_params = [{transform_indices = @transform_0, window_bounds = array<i64: 1, 32, 64, 25>}, {transform_indices = @transform_1, window_bounds = array<i64: 2048, 128>}, {transform_indices = @transform_2, window_bounds = array<i64: 1, 8, 2048>}, {pipeline_mode = #tpu.pipeline_mode<synchronous>, transform_indices = @transform_3, window_bounds = array<i64: 25, 128>}, {pipeline_mode = #tpu.pipeline_mode<synchronous>, transform_indices = @transform_4, window_bounds = array<i64: 1, 128>}, {pipeline_mode = #tpu.pipeline_mode<synchronous>, transform_indices = @transform_5, window_bounds = array<i64: 128, 128>}, {pipeline_mode = #tpu.pipeline_mode<synchronous>, transform_indices = @transform_6, window_bounds = array<i64: 1, 128>}, {pipeline_mode = #tpu.pipeline_mode<synchronous>, transform_indices = @transform_7, window_bounds = array<i64: 128, 128>}, {pipeline_mode = #tpu.pipeline_mode<synchronous>, transform_indices = @transform_8, window_bounds = array<i64: 1, 128>}, {transform_indices = @transform_9, window_bounds = array<i64: 32, 128>}]} {
    %get3A = arith.constant 0 : index
    %get3A_0 = arith.constant 0 : index
    %get3A_1 = arith.constant 0 : index
    %get3A_2 = arith.constant 0 : index
    %get3A_3 = vector.load %arg2[%get3A, %get3A_0, %get3A_1, %get3A_2] : memref<1x32x64x25xf32, #tpu.memory_space<vmem>>, vector<1x32x64x25xf32>
    %reshape3A = vector.shape_cast %get3A_3 : vector<1x32x64x25xf32> to vector<2048x25xf32>
    %get3A_4 = arith.constant 0 : index
    %get3A_5 = arith.constant 0 : index
    %get3A_6 = arith.constant 0 : index
    %get3A_7 = vector.load %arg4[%get3A_4, %get3A_5, %get3A_6] : memref<1x8x2048xf32, #tpu.memory_space<vmem>>, vector<1x1x2048xf32>
    %get3A_8 = vector.shape_cast %get3A_7 : vector<1x1x2048xf32> to vector<1x2048xf32>
    %iota3A = tpu.iota {dimensions = array<i32: 0>} : vector<32x1024xi32>
    %slice3A = vector.extract_strided_slice %reshape3A {offsets = [0, 0], sizes = [1024, 25], strides = [1, 1]} : vector<2048x25xf32> to vector<1024x25xf32>
    %get3A_9 = arith.constant 0 : index
    %get3A_10 = arith.constant 0 : index
    %get3A_11 = vector.load %arg5[%get3A_9, %get3A_10] : memref<25x128xf32, #tpu.memory_space<vmem>>, vector<25x128xf32>
    %dot_general3A = arith.constant dense<0.000000e+00> : vector<1024x128xf32>
    %dot_general3A_12 = tpu.matmul %slice3A, %get3A_11, %dot_general3A {dimension_numbers = #tpu.dot_dimension_numbers<[1], [0], [0], [1], [0, 0, 1, 1], [], []>, transpose_lhs_hint = false} : vector<1024x25xf32>, vector<25x128xf32>, vector<1024x128xf32> -> vector<1024x128xf32>
    %get3A_13 = arith.constant 0 : index
    %get3A_14 = arith.constant 0 : index
    %get3A_15 = vector.load %arg6[%get3A_13, %get3A_14] : memref<1x128xf32, #tpu.memory_space<vmem>>, vector<1x128xf32>
    %add3A = vector.broadcast %get3A_15 : vector<1x128xf32> to vector<1024x128xf32>
    %add3A_16 = arith.addf %dot_general3A_12, %add3A : vector<1024x128xf32>
    %exp3A = math.exp %add3A_16 : vector<1024x128xf32>
    %log1p3A = math.log1p %exp3A : vector<1024x128xf32>
    %sub3A = arith.constant 0.693147182 : f32
    %sub3A_17 = vector.broadcast %sub3A : f32 to vector<1024x128xf32>
    %sub3A_18 = arith.subf %log1p3A, %sub3A_17 : vector<1024x128xf32>
    %get3A_19 = arith.constant 0 : index
    %get3A_20 = arith.constant 0 : index
    %get3A_21 = vector.load %arg7[%get3A_19, %get3A_20] : memref<128x128xf32, #tpu.memory_space<vmem>>, vector<128x128xf32>
    %dot_general3A_22 = arith.constant dense<0.000000e+00> : vector<1024x128xf32>
    %dot_general3A_23 = tpu.matmul %sub3A_18, %get3A_21, %dot_general3A_22 {dimension_numbers = #tpu.dot_dimension_numbers<[1], [0], [0], [1], [0, 0, 1, 1], [], []>, transpose_lhs_hint = false} : vector<1024x128xf32>, vector<128x128xf32>, vector<1024x128xf32> -> vector<1024x128xf32>
    %get3A_24 = arith.constant 0 : index
    %get3A_25 = arith.constant 0 : index
    %get3A_26 = vector.load %arg8[%get3A_24, %get3A_25] : memref<1x128xf32, #tpu.memory_space<vmem>>, vector<1x128xf32>
    %add3A_27 = vector.broadcast %get3A_26 : vector<1x128xf32> to vector<1024x128xf32>
    %add3A_28 = arith.addf %dot_general3A_23, %add3A_27 : vector<1024x128xf32>
    %get3A_29 = arith.constant 0 : index
    %get3A_30 = arith.constant 0 : index
    %get3A_31 = vector.load %arg3[%get3A_29, %get3A_30] : memref<2048x128xf32, #tpu.memory_space<vmem>>, vector<1024x128xf32>
    %mul3A = arith.mulf %add3A_28, %get3A_31 : vector<1024x128xf32>
    %iota3A_32 = tpu.iota {dimensions = array<i32: 1>} : vector<32x1024xi32>
    %add3A_33 = arith.constant 0 : i32
    %add3A_34 = vector.broadcast %add3A_33 : i32 to vector<32x1024xi32>
    %add3A_35 = arith.addi %iota3A_32, %add3A_34 : vector<32x1024xi32>
    %shift_right_arithmetic3A = arith.constant 6 : i32
    %shift_right_arithmetic3A_36 = vector.broadcast %shift_right_arithmetic3A : i32 to vector<32x1024xi32>
    %shift_right_arithmetic3A_37 = arith.shrsi %add3A_35, %shift_right_arithmetic3A_36 : vector<32x1024xi32>
    %eq3A = arith.cmpi eq, %shift_right_arithmetic3A_37, %iota3A : vector<32x1024xi32>
    %slice3A_38 = vector.extract_strided_slice %get3A_8 {offsets = [0, 0], sizes = [1, 1024], strides = [1, 1]} : vector<1x2048xf32> to vector<1x1024xf32>
    %jit3A = arith.constant 0.000000e+00 : f32
    %broadcast_in_dim3A = vector.shape_cast %slice3A_38 : vector<1x1024xf32> to vector<1x1024xf32>
    %broadcast_in_dim3A_39 = vector.broadcast %broadcast_in_dim3A : vector<1x1024xf32> to vector<32x1024xf32>
    %broadcast_in_dim3A_40 = vector.broadcast %jit3A : f32 to vector<32x1024xf32>
    %select_n3A = arith.select %eq3A, %broadcast_in_dim3A_39, %broadcast_in_dim3A_40 : vector<32x1024xi1>, vector<32x1024xf32>
    %dot_general3A_41 = arith.constant dense<0.000000e+00> : vector<32x128xf32>
    %dot_general3A_42 = tpu.matmul %select_n3A, %mul3A, %dot_general3A_41 {dimension_numbers = #tpu.dot_dimension_numbers<[1], [0], [0], [1], [0, 0, 1, 1], [], []>, transpose_lhs_hint = false} : vector<32x1024xf32>, vector<1024x128xf32>, vector<32x128xf32> -> vector<32x128xf32>
    %slice3A_43 = vector.extract_strided_slice %reshape3A {offsets = [1024, 0], sizes = [1024, 25], strides = [1, 1]} : vector<2048x25xf32> to vector<1024x25xf32>
    %get3A_44 = arith.constant 0 : index
    %get3A_45 = arith.constant 0 : index
    %get3A_46 = vector.load %arg5[%get3A_44, %get3A_45] : memref<25x128xf32, #tpu.memory_space<vmem>>, vector<25x128xf32>
    %dot_general3A_47 = arith.constant dense<0.000000e+00> : vector<1024x128xf32>
    %dot_general3A_48 = tpu.matmul %slice3A_43, %get3A_46, %dot_general3A_47 {dimension_numbers = #tpu.dot_dimension_numbers<[1], [0], [0], [1], [0, 0, 1, 1], [], []>, transpose_lhs_hint = false} : vector<1024x25xf32>, vector<25x128xf32>, vector<1024x128xf32> -> vector<1024x128xf32>
    %get3A_49 = arith.constant 0 : index
    %get3A_50 = arith.constant 0 : index
    %get3A_51 = vector.load %arg6[%get3A_49, %get3A_50] : memref<1x128xf32, #tpu.memory_space<vmem>>, vector<1x128xf32>
    %add3A_52 = vector.broadcast %get3A_51 : vector<1x128xf32> to vector<1024x128xf32>
    %add3A_53 = arith.addf %dot_general3A_48, %add3A_52 : vector<1024x128xf32>
    %exp3A_54 = math.exp %add3A_53 : vector<1024x128xf32>
    %log1p3A_55 = math.log1p %exp3A_54 : vector<1024x128xf32>
    %sub3A_56 = arith.constant 0.693147182 : f32
    %sub3A_57 = vector.broadcast %sub3A_56 : f32 to vector<1024x128xf32>
    %sub3A_58 = arith.subf %log1p3A_55, %sub3A_57 : vector<1024x128xf32>
    %get3A_59 = arith.constant 0 : index
    %get3A_60 = arith.constant 0 : index
    %get3A_61 = vector.load %arg7[%get3A_59, %get3A_60] : memref<128x128xf32, #tpu.memory_space<vmem>>, vector<128x128xf32>
    %dot_general3A_62 = arith.constant dense<0.000000e+00> : vector<1024x128xf32>
    %dot_general3A_63 = tpu.matmul %sub3A_58, %get3A_61, %dot_general3A_62 {dimension_numbers = #tpu.dot_dimension_numbers<[1], [0], [0], [1], [0, 0, 1, 1], [], []>, transpose_lhs_hint = false} : vector<1024x128xf32>, vector<128x128xf32>, vector<1024x128xf32> -> vector<1024x128xf32>
    %get3A_64 = arith.constant 0 : index
    %get3A_65 = arith.constant 0 : index
    %get3A_66 = vector.load %arg8[%get3A_64, %get3A_65] : memref<1x128xf32, #tpu.memory_space<vmem>>, vector<1x128xf32>
    %add3A_67 = vector.broadcast %get3A_66 : vector<1x128xf32> to vector<1024x128xf32>
    %add3A_68 = arith.addf %dot_general3A_63, %add3A_67 : vector<1024x128xf32>
    %get3A_69 = arith.constant 1024 : index
    %get3A_70 = arith.constant 0 : index
    %get3A_71 = vector.load %arg3[%get3A_69, %get3A_70] : memref<2048x128xf32, #tpu.memory_space<vmem>>, vector<1024x128xf32>
    %mul3A_72 = arith.mulf %add3A_68, %get3A_71 : vector<1024x128xf32>
    %iota3A_73 = tpu.iota {dimensions = array<i32: 1>} : vector<32x1024xi32>
    %add3A_74 = arith.constant 1024 : i32
    %add3A_75 = vector.broadcast %add3A_74 : i32 to vector<32x1024xi32>
    %add3A_76 = arith.addi %iota3A_73, %add3A_75 : vector<32x1024xi32>
    %shift_right_arithmetic3A_77 = arith.constant 6 : i32
    %shift_right_arithmetic3A_78 = vector.broadcast %shift_right_arithmetic3A_77 : i32 to vector<32x1024xi32>
    %shift_right_arithmetic3A_79 = arith.shrsi %add3A_76, %shift_right_arithmetic3A_78 : vector<32x1024xi32>
    %eq3A_80 = arith.cmpi eq, %shift_right_arithmetic3A_79, %iota3A : vector<32x1024xi32>
    %slice3A_81 = vector.extract_strided_slice %get3A_8 {offsets = [0, 1024], sizes = [1, 1024], strides = [1, 1]} : vector<1x2048xf32> to vector<1x1024xf32>
    %jit3A_82 = arith.constant 0.000000e+00 : f32
    %broadcast_in_dim3A_83 = vector.shape_cast %slice3A_81 : vector<1x1024xf32> to vector<1x1024xf32>
    %broadcast_in_dim3A_84 = vector.broadcast %broadcast_in_dim3A_83 : vector<1x1024xf32> to vector<32x1024xf32>
    %broadcast_in_dim3A_85 = vector.broadcast %jit3A_82 : f32 to vector<32x1024xf32>
    %select_n3A_86 = arith.select %eq3A_80, %broadcast_in_dim3A_84, %broadcast_in_dim3A_85 : vector<32x1024xi1>, vector<32x1024xf32>
    %dot_general3A_87 = arith.constant dense<0.000000e+00> : vector<32x128xf32>
    %dot_general3A_88 = tpu.matmul %select_n3A_86, %mul3A_72, %dot_general3A_87 {dimension_numbers = #tpu.dot_dimension_numbers<[1], [0], [0], [1], [0, 0, 1, 1], [], []>, transpose_lhs_hint = false} : vector<32x1024xf32>, vector<1024x128xf32>, vector<32x128xf32> -> vector<32x128xf32>
    %add3A_89 = arith.addf %dot_general3A_42, %dot_general3A_88 : vector<32x128xf32>
    %get3A_90 = arith.constant 0 : index
    %get3A_91 = arith.constant 0 : index
    %get3A_92 = vector.load %arg9[%get3A_90, %get3A_91] : memref<128x128xf32, #tpu.memory_space<vmem>>, vector<128x128xf32>
    %dot_general3A_93 = arith.constant dense<0.000000e+00> : vector<32x128xf32>
    %dot_general3A_94 = tpu.matmul %add3A_89, %get3A_92, %dot_general3A_93 {dimension_numbers = #tpu.dot_dimension_numbers<[1], [0], [0], [1], [0, 0, 1, 1], [], []>, transpose_lhs_hint = false} : vector<32x128xf32>, vector<128x128xf32>, vector<32x128xf32> -> vector<32x128xf32>
    %get3A_95 = arith.constant 0 : index
    %get3A_96 = arith.constant 0 : index
    %get3A_97 = vector.load %arg10[%get3A_95, %get3A_96] : memref<1x128xf32, #tpu.memory_space<vmem>>, vector<1x128xf32>
    %add3A_98 = vector.broadcast %get3A_97 : vector<1x128xf32> to vector<32x128xf32>
    %add3A_99 = arith.addf %dot_general3A_94, %add3A_98 : vector<32x128xf32>
    %max3A = arith.constant 0.000000e+00 : f32
    %max3A_100 = vector.broadcast %max3A : f32 to vector<32x128xf32>
    %max3A_101 = arith.maximumf %add3A_99, %max3A_100 : vector<32x128xf32>
    %abs3A = math.absf %add3A_99 : vector<32x128xf32>
    %neg3A = arith.constant 0.000000e+00 : f32
    %neg3A_102 = vector.broadcast %neg3A : f32 to vector<32x128xf32>
    %neg3A_103 = arith.subf %neg3A_102, %abs3A : vector<32x128xf32>
    %exp3A_104 = math.exp %neg3A_103 : vector<32x128xf32>
    %log1p3A_105 = math.log1p %exp3A_104 : vector<32x128xf32>
    %add3A_106 = arith.addf %max3A_101, %log1p3A_105 : vector<32x128xf32>
    %sub3A_107 = arith.constant 0.693147182 : f32
    %sub3A_108 = vector.broadcast %sub3A_107 : f32 to vector<32x128xf32>
    %sub3A_109 = arith.subf %add3A_106, %sub3A_108 : vector<32x128xf32>
    %swap3A = arith.constant 0 : index
    %swap3A_110 = arith.constant 0 : index
    %swap3A_111 = vector.load %arg11[%swap3A, %swap3A_110] : memref<32x128xf32, #tpu.memory_space<vmem>>, vector<32x128xf32>
    tpu.vector_store %arg11[%swap3A, %swap3A_110], %sub3A_109 {strides = array<i32>} : memref<32x128xf32, #tpu.memory_space<vmem>>, vector<32x128xf32>,
    return
  }
  func.func @transform_0(%arg0: i32, %arg1: i32) -> (i32, i32, i32, i32) {
    %c0_i32 = arith.constant 0 : i32
    %c0_i32_0 = arith.constant 0 : i32
    %c0_i32_1 = arith.constant 0 : i32
    return %arg0, %arg1, %c0_i32, %c0_i32_0 : i32, i32, i32, i32
  }
  func.func @transform_1(%arg0: i32, %arg1: i32) -> (i32, i32) {
    %mul3A = arith.constant 4 : i32
    %mul3A_0 = arith.muli %arg0, %mul3A : i32
    %add3A = arith.addi %mul3A_0, %arg1 : i32
    %c0_i32 = arith.constant 0 : i32
    %c0_i32_1 = arith.constant 0 : i32
    return %add3A, %c0_i32 : i32, i32
  }
  func.func @transform_2(%arg0: i32, %arg1: i32) -> (i32, i32, i32) {
    %mul3A = arith.constant 4 : i32
    %mul3A_0 = arith.muli %arg0, %mul3A : i32
    %add3A = arith.addi %mul3A_0, %arg1 : i32
    %c0_i32 = arith.constant 0 : i32
    %c0_i32_1 = arith.constant 0 : i32
    %c0_i32_2 = arith.constant 0 : i32
    return %add3A, %c0_i32, %c0_i32_1 : i32, i32, i32
  }
  func.func @transform_3(%arg0: i32, %arg1: i32) -> (i32, i32) {
    %c0_i32 = arith.constant 0 : i32
    %c0_i32_0 = arith.constant 0 : i32
    %c0_i32_1 = arith.constant 0 : i32
    return %c0_i32, %c0_i32_0 : i32, i32
  }
  func.func @transform_4(%arg0: i32, %arg1: i32) -> (i32, i32) {
    %c0_i32 = arith.constant 0 : i32
    %c0_i32_0 = arith.constant 0 : i32
    %c0_i32_1 = arith.constant 0 : i32
    return %c0_i32, %c0_i32_0 : i32, i32
  }
  func.func @transform_5(%arg0: i32, %arg1: i32) -> (i32, i32) {
    %c0_i32 = arith.constant 0 : i32
    %c0_i32_0 = arith.constant 0 : i32
    %c0_i32_1 = arith.constant 0 : i32
    return %c0_i32, %c0_i32_0 : i32, i32
  }
  func.func @transform_6(%arg0: i32, %arg1: i32) -> (i32, i32) {
    %c0_i32 = arith.constant 0 : i32
    %c0_i32_0 = arith.constant 0 : i32
    %c0_i32_1 = arith.constant 0 : i32
    return %c0_i32, %c0_i32_0 : i32, i32
  }
  func.func @transform_7(%arg0: i32, %arg1: i32) -> (i32, i32) {
    %c0_i32 = arith.constant 0 : i32
    %c0_i32_0 = arith.constant 0 : i32
    %c0_i32_1 = arith.constant 0 : i32
    return %c0_i32, %c0_i32_0 : i32, i32
  }
  func.func @transform_8(%arg0: i32, %arg1: i32) -> (i32, i32) {
    %c0_i32 = arith.constant 0 : i32
    %c0_i32_0 = arith.constant 0 : i32
    %c0_i32_1 = arith.constant 0 : i32
    return %c0_i32, %c0_i32_0 : i32, i32
  }
  func.func @transform_9(%arg0: i32, %arg1: i32) -> (i32, i32) {
    %mul3A = arith.constant 4 : i32
    %mul3A_0 = arith.muli %arg0, %mul3A : i32
    %add3A = arith.addi %mul3A_0, %arg1 : i32
    %c0_i32 = arith.constant 0 : i32
    %c0_i32_1 = arith.constant 0 : i32
    return %add3A, %c0_i32 : i32, i32
  }
}

</mosaic_0001>

<sc_bundles>
// kernel: kernel.5.cloned.1.call-start
scs
__scs_entry_jumppad:
0x0: {  	(pc) =	sbr.rel $0x88, $3  }
0x1: {  	(tag) =	ssettag $0x0;
	lr =	simm.s32 $0x1  }
0x2: {  	[smem:$0x3F95] =	sst lr;
	_ =	strace $0xD0000000  }
0x3: {  	_ = 	snop  }
0x4: {  	_ = 	snop  }
0x5: {  	_ = 	snop  }
0x6: {  	_ = 	snop  }
0x7: {  	_ = 	snop  }
__scs_overlays_trampoline_lowered:
0x8: {  	[smem:$0x3FA4] =	sst s0  }
0x9: {  	[smem:$0x3FA5] =	sst s1  }
0xa: {  	[smem:$0x3FA6] =	sst s2  }
0xb: {  	[smem:$0x3FA7] =	sst s3  }
0xc: {  	[smem:$0x3FA8] =	sst s4  }
0xd: {  	[smem:$0x3FA9] =	sst s5  }
0xe: {  	[smem:$0x3FAA] =	sst s6  }
0xf: {  	[smem:$0x3FAB] =	sst s7  }
0x10: {  	[smem:$0x3FAC] =	sst s8  }
0x11: {  	[smem:$0x3FAD] =	sst s9;
	s0 =	simm.s32 @!p0 $0x0  }
0x12: {  	s1 =	sld [smem:$0x3F93];
	s0 =	simm.s32 @p0 $0x1  }
0x13: {  	[smem:$0x3FAE] =	sst s0;
	s0 =	simm.s32 @!p1 $0x0  }
0x14: {  	s2 =	sld [smem:$0x3F92];
	s0 =	simm.s32 @p1 $0x1  }
0x15: {  	[smem:$0x3FAF] =	sst s0;
	s0 =	simm.s32 @!p2 $0x0  }
0x16: {  	s3 =	sld [smem:$0x3FDB];
	s0 =	simm.s32 @p2 $0x1  }
0x17: {  	s4 =	simm.s32 $0x1BF5;
	[smem:$0x3FB1] =	sst s0  }
0x18: {  	s0 =	sld [smem:$0x3F94];
	_ =	swait.ge [sflag:s4], $0x0  }
0x19: {  	s7 =	sld [smem:$0x3F95]  }
0x1a: {  	s8 =	sadd.s32 $0xFFFFE003, lr  }
0x1b: {  	s9 =	sadd.s32 $0xFFFFFEF7, lr;
	s5 =	simm.s32 $0xFFFFFFFF;
	p2 =	slt.u32 s8, $0xFFFFF086  }
0x1c: {  	p1 =	slt.u32 s9, $0xF7A;
	s5 =	simm.s32 @!p2 $0x0  }
0x1d: {  	s5 =	simm.s32 @p1 $0x1;
	p0 =	seq.s32 s7, s2  }
0x1e: {  	s7 =	smul.u32 @!p0 $0xF7A, s2;
	p2 =	seq.s32 @!p0 s5, $0x0  }
0x1f: {  	s9 =	smul.u32 $0xF7A, s1;
	s8 =	simm.s32 @!p0 $0x1BF5;
	p2 =	por !p2, p0  }
0x20: {  	[sflag:s8] =	ssyncset.s32 @!p0 $0xFFFFF086;
	s6 =	sadd.s32 @!p0 s3, s7;
	s7 =	simm.s32 @!p0 $0x108  }
0x21: {  	s3 =	sadd.s32 s3, s9;
	s6 =	sadd.s32 @!p0 $0x88, s6;
	s7 =	simm.s32 @p2 $0x1082  }
0x22: {  	[simem:s7], [sflag:s8] =	dma.local @!p0 [hbm:s6], $0xF7A  }
0x23: {  	s9 =	sor.u32 $0xD0000000, s2;
	s6 =	simm.s32 $0x108;
	_ =	swait.ge @!p0 [sflag:s8], $0x0  }
0x24: {  	s3 =	sadd.s32 $0x88, s3;
	s6 =	simm.s32 @!p1 $0x1082;
	[sflag:s4] =	ssyncset.s32 $0xFFFFF086  }
0x25: {  	[simem:s6], [sflag:s4] =	dma.local [hbm:s3], $0xF7A  }
0x26: {  	[smem:$0x3F95] =	sst s1;
	(tag) =	ssettag s2;
	_ =	strace s9  }
0x27: {  	s1 =	sld [smem:$0x3FA5]  }
0x28: {  	s2 =	sld [smem:$0x3FA6]  }
0x29: {  	s4 =	sld [smem:$0x3FA8]  }
0x2a: {  	p0 =	seq.s32 s5, $0x0;
	s5 =	sld [smem:$0x3FA9]  }
0x2b: {  	s6 =	sld [smem:$0x3FAA]  }
0x2c: {  	s7 =	sld [smem:$0x3FAB]  }
0x2d: {  	s3 =	simm.s32 $0x108;
	s8 =	sld [smem:$0x3FAC]  }
0x2e: {  	s3 =	simm.s32 @!p0 $0x1082;
	s9 =	sld [smem:$0x3FAD]  }
0x2f: {  	lr =	sadd.s32 s0, s3;
	s0 =	sld [smem:$0x3FA4]  }
0x30: {  	s3 =	sld [smem:$0x3FA7]  }
0x31: {  	[smem:$0x3FB0] =	sst s10  }
0x32: {  	s10 =	sld [smem:$0x3FAE];
	_ =	sdelay $0x3  }
0x33: {  	p0 =	seq.s32 s10, $0x1;
	s10 =	sld [smem:$0x3FB0];
	_ =	sdelay $0x3  }
0x34: {  	[smem:$0x3FB0] =	sst s10  }
0x35: {  	s10 =	sld [smem:$0x3FAF];
	_ =	sdelay $0x3  }
0x36: {  	p1 =	seq.s32 s10, $0x1;
	s10 =	sld [smem:$0x3FB0];
	_ =	sdelay $0x3  }
0x37: {  	[smem:$0x3FB0] =	sst s10  }
0x38: {  	s10 =	sld [smem:$0x3FB1]  }
0x39: {  	_ = 	snop;
	(pc) =	sbr.ind lr, $3  }
0x3a: {  	_ = 	snop  }
0x3b: {  	_ = 	snop  }
0x3c: {  	p2 =	seq.s32 s10, $0x1;
	s10 =	sld [smem:$0x3FB0]  }
0x3d: {  	_ =	shalt  }
0x3e: {  	_ =	shalt  }
0x3f: {  	_ =	shalt  }
0x40: {  	_ =	shalt  }
0x41: {  	_ =	shalt  }
0x42: {  	_ =	shalt  }
0x43: {  	_ =	shalt  }
0x44: {  	_ =	shalt  }
0x45: {  	_ =	shalt  }
0x46: {  	_ =	shalt  }
0x47: {  	_ =	shalt  }
0x48: {  	_ =	shalt  }
0x49: {  	_ =	shalt  }
0x4a: {  	_ =	shalt  }
0x4b: {  	_ =	shalt  }
0x4c: {  	_ =	shalt  }
0x4d: {  	_ =	shalt  }
0x4e: {  	_ =	shalt  }
0x4f: {  	_ =	shalt  }
0x50: {  	_ =	shalt  }
0x51: {  	_ =	shalt  }
0x52: {  	_ =	shalt  }
0x53: {  	_ =	shalt  }
0x54: {  	_ =	shalt  }
0x55: {  	_ =	shalt  }
0x56: {  	_ =	shalt  }
0x57: {  	_ =	shalt  }
0x58: {  	_ =	shalt  }
0x59: {  	_ =	shalt  }
0x5a: {  	_ =	shalt  }
0x5b: {  	_ =	shalt  }
0x5c: {  	_ =	shalt  }
0x5d: {  	_ =	shalt  }
0x5e: {  	_ =	shalt  }
0x5f: {  	_ =	shalt  }
0x60: {  	_ =	shalt  }
0x61: {  	_ =	shalt  }
0x62: {  	_ =	shalt  }
0x63: {  	_ =	shalt  }
0x64: {  	_ =	shalt  }
0x65: {  	_ =	shalt  }
0x66: {  	_ =	shalt  }
0x67: {  	_ =	shalt  }
0x68: {  	_ =	shalt  }
0x69: {  	_ =	shalt  }
0x6a: {  	_ =	shalt  }
0x6b: {  	_ =	shalt  }
0x6c: {  	_ =	shalt  }
0x6d: {  	_ =	shalt  }
0x6e: {  	_ =	shalt  }
0x6f: {  	_ =	shalt  }
0x70: {  	_ =	shalt  }
0x71: {  	_ =	shalt  }
0x72: {  	_ =	shalt  }
0x73: {  	_ =	shalt  }
0x74: {  	_ =	shalt  }
0x75: {  	_ =	shalt  }
0x76: {  	_ =	shalt  }
0x77: {  	_ =	shalt  }
0x78: {  	_ =	shalt  }
0x79: {  	_ =	shalt  }
0x7a: {  	_ =	shalt  }
0x7b: {  	_ =	shalt  }
0x7c: {  	_ =	shalt  }
0x7d: {  	_ =	shalt  }
0x7e: {  	_ =	shalt  }
0x7f: {  	_ =	shalt  }
0x80: {  	_ =	shalt  }
0x81: {  	_ =	shalt  }
0x82: {  	_ =	shalt  }
0x83: {  	_ =	shalt  }
0x84: {  	_ =	shalt  }
0x85: {  	_ =	shalt  }
0x86: {  	_ =	shalt  }
0x87: {  	_ =	shalt  }
.Lfunc_end0:
.L_simem_size_0:
called_computation_lowered:
.L_overlay_start_0:
0x88: {  	s2 =	sld [smem:$0x3FD9]  }
0x89: {  	s3 =	sld [smem:$0x3FFE];
	_ =	sdelay $0x1  }
0x8a: {  	s1 =	srdreg.scid  }
0x8b: {  	s0 =	sand.u32 $0x1, s1  }
0x8c: {  	s17 =	sshll.u32 s0, $0xA;
	s2 =	sadd.s32 s3, s2  }
0x8d: {  	s2 =	sadd.s32 s2, s17  }
0x8e: {  	[smem:$0x3FBC] =	sst s2  }
0x8f: {  	_ = 	snop  }
0x90: {  	s2 =	sld [smem:$0x3FD0];
	(tm) =	ssettm $0x1  }
0x91: {  	s18 =	sld [smem:$0x3FFB];
	_ =	sdelay $0x3  }
0x92: {  	_ =	strace s18  }
0x93: {  	s3 =	sld [smem:$0x3FFC];
	_ =	sdelay $0x3  }
0x94: {  	_ =	strace s3  }
0x95: {  	s3 =	sld [smem:$0x3FFD];
	_ =	sdelay $0x3  }
0x96: {  	_ =	strace s3  }
0x97: {  	_ =	strace $0x8FFFFFFF  }
0x98: {  	s19 =	sld [smem:$0x3FDB];
	_ =	sdelay $0x1  }
0x99: {  	s4 =	simm.s32 $_scs_section_size  }
0x9a: {  	s5 =	simm.s32 $_size__tile_overlayer_lowered;
	s6 =	simm.s32 $_tile_overlayer_lowered  }
0x9b: {  	s22 =	simm.s32 $0x1BFF;
	s21 =	sshll.u32 s6, $0x1;
	s3 =	sadd.s32 s4, s19  }
0x9c: {  	s7 =	simm.s32 $0x0;
	s20 =	sshll.u32 s5, $0x1;
	s5 =	sadd.s32 s21, s3  }
0x9d: {  	[timem:s7], [sflag:s22] =	dma.local [hbm:s5], s20  }
0x9e: {  	_ =	swait.ge [sflag:s22], s20  }
0x9f: {  	s4 =	ssub.s32 $0x0, s20;
	[sflag:s22] =	ssyncset.done $0x0  }
0xa0: {  	[sflag:s22] =	ssyncadd.s32 s4;
	_ =	sdelay $0x1  }
0xa1: {  	s23 =	simm.s32 $0x1B8B  }
0xa2: {  	_ =	swait.ge [sflag:s23], $0x1  }
0xa3: {  	[sflag:s23] =	ssyncset.done $0x0  }
0xa4: {  	s25 =	simm.s32 $0x1B8E;
	s24 =	sld [smem:$0x3FFE];
	[sflag:s23] =	ssyncadd.s32 $0xFFFFFFFF  }
0xa5: {  	s26 =	simm.s32 $execute0_lowered;
	[smem:$0x3FD2] =	sst s25  }
0xa6: {  	s5 =	sshll.u32 s26, $0x1;
	_ =	strace $0x80000046;
	[dreg:$0x1] =	wrdreg $0xFFFFFFFF  }
0xa7: {  	s28 =	simm.s32 $_size_execute0_lowered;
	s3 =	sadd.s32 s3, s5;
	[dreg:$0x0] =	wrdreg $0x0  }
0xa8: {  	s5 =	sshll.u32 s28, $0x1;
	[dreg:$0x2] =	wrdreg s3  }
0xa9: {  	[dreg:$0x3] =	wrdreg s5  }
0xaa: {  	[dreg:$0x4] =	wrdreg $0xC0  }
0xab: {  	_ =	task [dreg:s7], $0x5FFFF  }
0xac: {  	[dreg:$0x1] =	wrdreg $0xFFFFFFFF  }
0xad: {  	[dreg:$0x0] =	wrdreg $0x60  }
0xae: {  	[dreg:$0x2] =	wrdreg s2  }
0xaf: {  	[dreg:$0x3] =	wrdreg s24  }
0xb0: {  	[dreg:$0x4] =	wrdreg $0x9  }
0xb1: {  	_ =	task.clear_ibuf [dreg:s7], $0x5FFFF;
	_ =	strace $0x90000046  }
0xb2: {  	s29 =	simm.s32 $0x9;
	_ =	strace $0x80000048  }
0xb3: {  	_ =	swait.ge [sflag:s29], $0x1  }
0xb4: {  	[sflag:s29] =	ssyncadd.s32 $0xFFFFFFFF  }
0xb5: {  	_ =	strace $0x90000048  }
0xb6: {  	_ =	sfence  }
0xb7: {  	s30 =	sld [smem:$0x0];
	_ =	sdelay $0x2  }
0xb8: {  	s31 =	sshll.u32 s1, $0xD;
	s1 =	sshrl.u32 s1, $0x2  }
0xb9: {  	s3 =	sand.u32 $0x4000, s31;
	s1 =	sadd.s32 s1, s30  }
0xba: {  	s0 =	sor.u32 s3, s0;
	s1 =	sshll.u32 s1, $0x11  }
0xbb: {  	s0 =	sor.u32 s1, s0  }
0xbc: {  	s0 =	sadd.s32 $0x8F2B, s0  }
0xbd: {  	[sflag:s0] =	ssyncadd.remote.s32 $0x1  }
0xbe: {  	_ =	sfence.sel $0xFFFF  }
0xbf: {  	[dreg:$0x0] =	wrdreg $0xFFFFFFFF;
	(pc) =	sbr.abs _section_cstart, $3  }
0xc0: {  	[dreg:$0x1] =	wrdreg $0xFFFFFFFF  }
0xc1: {  	_ =	task.clear_ibuf [dreg:s7], $0x2FFFF;
	_ =	strace $0x9FFFFFFF  }
0xc2: {  	(tm) =	ssettm $0x7FFFFFFF  }
0xc3: {  	_ =	shalt  }
tec
execute0_lowered:
.L_overlay_start_1:
0x0: {  	(tag) =	ssettag $0x1  }
0x1: {  	s2 =	rddreg [dreg:$0x0]  }
0x2: {  	s4 =	rddreg [dreg:$0x1]  }
0x3: {  	s3 =	srdreg.scid;
	s0 =	stileid.u32  }
0x4: {  	s13 =	simm.s32 $0x2000;
	s14 =	simm.s32 $0x6000;
	s15 =	simm.s32 $0x100  }
0x5: {  	s16 =	simm.s32 $0xA000;
	s17 =	simm.s32 $0x180;
	s18 =	simm.s32 $0xE000  }
0x6: {  	s19 =	simm.s32 $0x1;
	s20 =	simm.s32 $0x2;
	s21 =	simm.s32 $0x3  }
0x7: {  	s22 =	simm.s32 $0x4;
	s23 =	simm.s32 $0x5;
	s24 =	simm.s32 $0x6  }
0x8: {  	s25 =	simm.s32 $0x7;
	s26 =	simm.s32 $0x8;
	s28 =	simm.s32 $0x0  }
0x9: {  	s10 =	sand.u32 $0x1, s3;
	s3 =	simm.s32 $0x0;
	s5 =	sshll.u32 s0, $0xE  }
0xa: {  	s11 =	sadd.s32 $0x4A000, s4;
	s12 =	sshll.u32 s0, $0x12;
	s6 =	sshll.u32 s10, $0xD  }
0xb: {  	[smem:$0x7FF] =	sst s3;
	s7 =	ssub.s32 $0x2, s10;
	s10 =	sshll.u32 s10, $0x11  }
0xc: {  	s5 =	sor.u32 s6, s5;
	_ =	strace $0x80000047;
	s8 =	sshrl.u32 s7, $0x1  }
0xd: {  	s6 =	sshrl.u32 s5, $0x3;
	s5 =	sshll.u32 s5, $0x4;
	s31 =	ssub.s32 s7, s8  }
0xe: {  	s4 =	sadd.s32 s6, s4;
	s9 =	sadd.s32 s11, s5;
	s5 =	smax.u32 s31, $0x1  }
0xf: {  	s11 =	sadd.s32 s12, s11;
	s12 =	simm.s32 $0x80;
	s4 =	sadd.s32 $0x2000, s4  }
0x10: {  	s6 =	sadd.s32 $0x1E000, s9;
	s7 =	sadd.s32 $0x1E800, s9;
	s8 =	sadd.s32 $0x1F000, s9  }
0x11: {  	s9 =	sadd.s32 $0x1F800, s9;
	s10 =	sadd.s32 s10, s11;
	s11 =	simm.s32 $0x9  }
.LBB2_1:
0x12: {  	[tilespmem:s3], [sflag:$0x9] =	stream.linear.gather [hbm4b:s4+s3], $0x2000, $0x38;
	[tilespmem:$0x12000] =	vst v63  }
0x13: {  	_ =	swait.ge [sflag:s11], $0x2000  }
0x14: {  	[sflag:s11] =	ssyncset.done $0x0  }
0x15: {  	[sflag:s11] =	ssyncadd.s32 $0xFFFFE000  }
0x16: {  	[tilespmem:s13], [sflag:$0x1] =	stream.indirect.gather [hbm4b:s2+s12], $0x80, s3, s12, $0xb8;
	[tilespmem:$0x12000] =	vst v63  }
0x17: {  	_ = 	snop  }
0x18: {  	[tilespmem:s14], [sflag:$0x2] =	stream.indirect.gather [hbm4b:s2+s12], $0x80, s12, s12, $0xb8;
	[tilespmem:$0x12000] =	vst v63  }
0x19: {  	_ = 	snop  }
0x1a: {  	[tilespmem:s16], [sflag:$0x3] =	stream.indirect.gather [hbm4b:s2+s12], $0x80, s15, s12, $0xb8;
	[tilespmem:$0x12000] =	vst v63  }
0x1b: {  	_ = 	snop  }
0x1c: {  	[tilespmem:s18], [sflag:$0x4] =	stream.indirect.gather [hbm4b:s2+s12], $0x80, s17, s12, $0xb8;
	[tilespmem:$0x12000] =	vst v63  }
0x1d: {  	_ =	swait.ge [sflag:s19], $0x4000  }
0x1e: {  	[sflag:s19] =	ssyncset.done $0x0  }
0x1f: {  	s29 =	sadd.s32 $0x0, s10;
	[sflag:s19] =	ssyncadd.s32 $0xFFFFC000  }
0x20: {  	[hbm4b:s29+s3] =	stream.linear.scatter [tilespmem:s13], [sflag:$0x5], $0x4000, $0x38;
	[tilespmem:$0x12000] =	vst v63  }
0x21: {  	_ =	swait.ge [sflag:s20], $0x4000  }
0x22: {  	[sflag:s20] =	ssyncset.done $0x0  }
0x23: {  	s30 =	sadd.s32 $0x800, s29;
	[sflag:s20] =	ssyncadd.s32 $0xFFFFC000  }
0x24: {  	[hbm4b:s30+s3] =	stream.linear.scatter [tilespmem:s14], [sflag:$0x6], $0x4000, $0x38;
	[tilespmem:$0x12000] =	vst v63  }
0x25: {  	_ =	swait.ge [sflag:s21], $0x4000  }
0x26: {  	[sflag:s21] =	ssyncset.done $0x0  }
0x27: {  	s30 =	sadd.s32 $0x1000, s29;
	[sflag:s21] =	ssyncadd.s32 $0xFFFFC000  }
0x28: {  	[hbm4b:s30+s3] =	stream.linear.scatter [tilespmem:s16], [sflag:$0x7], $0x4000, $0x38;
	[tilespmem:$0x12000] =	vst v63  }
0x29: {  	_ =	swait.ge [sflag:s22], $0x4000  }
0x2a: {  	[sflag:s22] =	ssyncset.done $0x0  }
0x2b: {  	s29 =	sadd.s32 $0x1800, s29;
	[sflag:s22] =	ssyncadd.s32 $0xFFFFC000  }
0x2c: {  	[hbm4b:s29+s3] =	stream.linear.scatter [tilespmem:s18], [sflag:$0x8], $0x4000, $0x38;
	[tilespmem:$0x12000] =	vst v63  }
0x2d: {  	_ =	swait.ge [sflag:s23], $0x4000  }
0x2e: {  	[sflag:s23] =	ssyncset.done $0x0  }
0x2f: {  	s29 =	simm.s32 $0x200;
	[sflag:s23] =	ssyncadd.s32 $0xFFFFC000  }
0x30: {  	[tilespmem:s13], [sflag:$0x1] =	stream.indirect.gather [hbm4b:s2+s12], $0x80, s29, s12, $0xb8;
	[tilespmem:$0x12000] =	vst v63  }
0x31: {  	_ =	swait.ge [sflag:s24], $0x4000  }
0x32: {  	[sflag:s24] =	ssyncset.done $0x0  }
0x33: {  	s29 =	simm.s32 $0x280;
	[sflag:s24] =	ssyncadd.s32 $0xFFFFC000  }
0x34: {  	[tilespmem:s14], [sflag:$0x2] =	stream.indirect.gather [hbm4b:s2+s12], $0x80, s29, s12, $0xb8;
	[tilespmem:$0x12000] =	vst v63  }
0x35: {  	_ =	swait.ge [sflag:s25], $0x4000  }
0x36: {  	[sflag:s25] =	ssyncset.done $0x0  }
0x37: {  	s29 =	simm.s32 $0x300;
	[sflag:s25] =	ssyncadd.s32 $0xFFFFC000  }
0x38: {  	[tilespmem:s16], [sflag:$0x3] =	stream.indirect.gather [hbm4b:s2+s12], $0x80, s29, s12, $0xb8;
	[tilespmem:$0x12000] =	vst v63  }
0x39: {  	_ =	swait.ge [sflag:s26], $0x4000  }
0x3a: {  	s31 =	simm.s32 $0x580;
	[sflag:s26] =	ssyncset.done $0x0  }
0x3b: {  	s30 =	simm.s32 $0x2000;
	s29 =	simm.s32 $0x380;
	[sflag:s26] =	ssyncadd.s32 $0xFFFFC000  }
.LBB2_2:
0x3c: {  	[tilespmem:s18], [sflag:$0x4] =	stream.indirect.gather [hbm4b:s2+s12], $0x80, s29, s12, $0xb8;
	[tilespmem:$0x12000] =	vst v63  }
0x3d: {  	s0 =	smov.u32 s30;
	s29 =	smov.u32 s31  }
0x3e: {  	p0 =	sne.s32 s30, $0x1C000;
	s30 =	sadd.s32 $0x2000, s30;
	_ =	swait.ge [sflag:s19], $0x4000  }
0x3f: {  	[sflag:s19] =	ssyncset.done $0x0  }
0x40: {  	s0 =	sadd.s32 s0, s10;
	[sflag:s19] =	ssyncadd.s32 $0xFFFFC000  }
0x41: {  	[hbm4b:s0+s3] =	stream.linear.scatter [tilespmem:s13], [sflag:$0x5], $0x4000, $0x38;
	[tilespmem:$0x12000] =	vst v63  }
0x42: {  	_ =	swait.ge [sflag:s20], $0x4000  }
0x43: {  	[sflag:s20] =	ssyncset.done $0x0  }
0x44: {  	s1 =	sadd.s32 $0x800, s0;
	[sflag:s20] =	ssyncadd.s32 $0xFFFFC000  }
0x45: {  	[hbm4b:s1+s3] =	stream.linear.scatter [tilespmem:s14], [sflag:$0x6], $0x4000, $0x38;
	[tilespmem:$0x12000] =	vst v63  }
0x46: {  	_ =	swait.ge [sflag:s21], $0x4000  }
0x47: {  	[sflag:s21] =	ssyncset.done $0x0  }
0x48: {  	s1 =	sadd.s32 $0x1000, s0;
	[sflag:s21] =	ssyncadd.s32 $0xFFFFC000  }
0x49: {  	[hbm4b:s1+s3] =	stream.linear.scatter [tilespmem:s16], [sflag:$0x7], $0x4000, $0x38;
	[tilespmem:$0x12000] =	vst v63  }
0x4a: {  	_ =	swait.ge [sflag:s22], $0x4000  }
0x4b: {  	[sflag:s22] =	ssyncset.done $0x0  }
0x4c: {  	s0 =	sadd.s32 $0x1800, s0;
	[sflag:s22] =	ssyncadd.s32 $0xFFFFC000  }
0x4d: {  	[hbm4b:s0+s3] =	stream.linear.scatter [tilespmem:s18], [sflag:$0x8], $0x4000, $0x38;
	[tilespmem:$0x12000] =	vst v63  }
0x4e: {  	_ =	swait.ge [sflag:s23], $0x4000  }
0x4f: {  	[sflag:s23] =	ssyncset.done $0x0  }
0x50: {  	s0 =	sadd.s32 $0xFFFFFE80, s31;
	[sflag:s23] =	ssyncadd.s32 $0xFFFFC000  }
0x51: {  	[tilespmem:s13], [sflag:$0x1] =	stream.indirect.gather [hbm4b:s2+s12], $0x80, s0, s12, $0xb8;
	[tilespmem:$0x12000] =	vst v63  }
0x52: {  	_ =	swait.ge [sflag:s24], $0x4000  }
0x53: {  	[sflag:s24] =	ssyncset.done $0x0  }
0x54: {  	s0 =	sadd.s32 $0xFFFFFF00, s31;
	[sflag:s24] =	ssyncadd.s32 $0xFFFFC000  }
0x55: {  	[tilespmem:s14], [sflag:$0x2] =	stream.indirect.gather [hbm4b:s2+s12], $0x80, s0, s12, $0xb8;
	[tilespmem:$0x12000] =	vst v63  }
0x56: {  	_ =	swait.ge [sflag:s25], $0x4000  }
0x57: {  	[sflag:s25] =	ssyncset.done $0x0  }
.Ltmp0:
0x58: {  	s0 =	sadd.s32 $0xFFFFFF80, s31;
	[sflag:s25] =	ssyncadd.s32 $0xFFFFC000;
	(pc) =	sbr.rel @p0 .LBB2_2-.Ltmp0, $4  }
0x59: {  	[tilespmem:s16], [sflag:$0x3] =	stream.indirect.gather [hbm4b:s2+s12], $0x80, s0, s12, $0xb8;
	[tilespmem:$0x12000] =	vst v63  }
0x5a: {  	_ =	swait.ge [sflag:s26], $0x4000  }
0x5b: {  	[sflag:s26] =	ssyncset.done $0x0  }
0x5c: {  	s31 =	sadd.s32 $0x200, s31;
	[sflag:s26] =	ssyncadd.s32 $0xFFFFC000  }
0x5d: {  	[tilespmem:s18], [sflag:$0x4] =	stream.indirect.gather [hbm4b:s2+s12], $0x80, s29, s12, $0xb8;
	[tilespmem:$0x12000] =	vst v63  }
0x5e: {  	_ =	swait.ge [sflag:s19], $0x4000  }
0x5f: {  	[sflag:s19] =	ssyncset.done $0x0  }
0x60: {  	[sflag:s19] =	ssyncadd.s32 $0xFFFFC000  }
0x61: {  	[hbm4b:s6+s3] =	stream.linear.scatter [tilespmem:s13], [sflag:$0x5], $0x4000, $0x38;
	[tilespmem:$0x12000] =	vst v63  }
0x62: {  	_ =	swait.ge [sflag:s20], $0x4000  }
0x63: {  	[sflag:s20] =	ssyncset.done $0x0  }
0x64: {  	[sflag:s20] =	ssyncadd.s32 $0xFFFFC000  }
0x65: {  	[hbm4b:s7+s3] =	stream.linear.scatter [tilespmem:s14], [sflag:$0x6], $0x4000, $0x38;
	[tilespmem:$0x12000] =	vst v63  }
0x66: {  	_ =	swait.ge [sflag:s21], $0x4000  }
0x67: {  	[sflag:s21] =	ssyncset.done $0x0  }
0x68: {  	[sflag:s21] =	ssyncadd.s32 $0xFFFFC000  }
0x69: {  	[hbm4b:s8+s3] =	stream.linear.scatter [tilespmem:s16], [sflag:$0x7], $0x4000, $0x38;
	[tilespmem:$0x12000] =	vst v63  }
0x6a: {  	_ =	swait.ge [sflag:s22], $0x4000  }
0x6b: {  	[sflag:s22] =	ssyncset.done $0x0  }
0x6c: {  	[sflag:s22] =	ssyncadd.s32 $0xFFFFC000  }
0x6d: {  	[hbm4b:s9+s3] =	stream.linear.scatter [tilespmem:s18], [sflag:$0x8], $0x4000, $0x38;
	[tilespmem:$0x12000] =	vst v63  }
0x6e: {  	_ =	swait.ge [sflag:s23], $0x4000  }
0x6f: {  	[sflag:s23] =	ssyncset.done $0x0  }
0x70: {  	[sflag:s23] =	ssyncadd.s32 $0xFFFFC000  }
0x71: {  	_ =	swait.ge [sflag:s24], $0x4000  }
0x72: {  	[sflag:s24] =	ssyncset.done $0x0  }
0x73: {  	s28 =	sadd.s32 $0x1, s28;
	[sflag:s24] =	ssyncadd.s32 $0xFFFFC000  }
0x74: {  	p0 =	sne.s32 s28, s5;
	_ =	swait.ge [sflag:s25], $0x4000  }
.Ltmp1:
0x75: {  	[sflag:s25] =	ssyncset.done $0x0;
	(pc) =	sbr.rel @p0 .LBB2_1-.Ltmp1, $4  }
0x76: {  	[sflag:s25] =	ssyncadd.s32 $0xFFFFC000  }
0x77: {  	_ =	swait.ge [sflag:s26], $0x4000  }
0x78: {  	[sflag:s26] =	ssyncset.done $0x0  }
0x79: {  	[sflag:s26] =	ssyncadd.s32 $0xFFFFC000  }
0x7a: {  	_ =	sfence.sel $0x180000  }
0x7b: {  	[bflag:$0x0] =	sbarrier.arrive $0xFFFF  }
0x7c: {  	_ =	strace $0x90000047  }
0x7d: {  	s0 =	stileid.u32;
	[bflag:$0x2] =	sbarrier.arrive $0xFFFF  }
0x7e: {  	p0 =	sne.s32 s0, $0x0;
	s0 =	rddreg [dreg:$0x2]  }
0x7f: {  	s0 =	sadd.s32 @!p0 $0x100000, s0  }
0x80: {  	[sflag:s0] =	ssyncadd.tile.s32 @!p0 $0x1;
	_ =	shalt  }
.Lfunc_end2:
_tile_overlayer_lowered:
.L_overlay_start_2:
0x81: {  	(tag) =	ssettag $0x2  }
0x82: {  	s0 =	rddreg [dreg:$0x0];
	s2 =	stileid.u32  }
0x83: {  	s1 =	rddreg [dreg:$0x1];
	p0 =	sne.s32 s2, $0x0  }
0x84: {  	s3 =	rddreg [dreg:$0x2];
	[bflag:$0x3] =	sbarrier.arrive $0xFFFF;
	s2 =	simm.s32 @!p0 $0x1C09  }
0x85: {  	[timem:s3], [sflag:s2] =	dma.local @!p0 [hbm:s0], s1  }
0x86: {  	s0 =	simm.s32 @!p0 $0x9  }
0x87: {  	_ =	swait.ge @!p0 [sflag:s0], s1  }
0x88: {  	s1 =	ssub.s32 @!p0 $0x0, s1;
	[sflag:s0] =	ssyncset.done @!p0 $0x0  }
0x89: {  	[sflag:s0] =	ssyncadd.s32 @!p0 s1  }
0x8a: {  	[bflag:$0x3] =	sbarrier.arrive $0xFFFF  }
0x8b: {  	_ =	shalt  }

</sc_bundles>
